<compile_context>
chip_gen: v7x
topology: tpu7x:2x2x1
jax: 0.10.2.dev20260603
libtpu: 0.0.44.dev20260713+nightly
codegen_flags: <defaults>
</compile_context>

<pallas_src>
import dataclasses
import functools

import jax
import jax.numpy as jnp
from jax import lax
from jax.experimental import pallas as pl
from jax.experimental.pallas import tpu as pltpu
from jax.experimental.pallas import tpu_sc as plsc

ROWS = 8192
CH = 4096
NC = 2
NS = 16
L = 16
NW = NC * NS
RPW = ROWS // NW
RB = 2
NBUF = 4
NCHUNK = RPW // RB
NGROUP = NCHUNK // NBUF
CBLKS = CH // L
CBU = 8


def _permute_sc(z, perm):
  mesh = plsc.VectorSubcoreMesh(core_axis_name="c", subcore_axis_name="s")
  cp = pltpu.CompilerParams()
  if "needs_layout_passes" in pltpu.CompilerParams.__dataclass_fields__:
    cp = dataclasses.replace(cp, needs_layout_passes=False)

  scratch = (
      [pltpu.VMEM((CH,), jnp.int32)]
      + [pltpu.VMEM((RB, CH), jnp.float32) for _ in range(2 * NBUF)]
      + [pltpu.SemaphoreType.DMA for _ in range(2 * NBUF)]
  )

  @functools.partial(
      pl.kernel,
      compiler_params=cp,
      out_type=jax.ShapeDtypeStruct((ROWS, CH), jnp.float32),
      mesh=mesh,
      scratch_types=scratch,
  )
  def k(z_hbm, perm_hbm, out_hbm, perm_v, *bufs_and_sems):
    ins = bufs_and_sems[:NBUF]
    outs = bufs_and_sems[NBUF:2 * NBUF]
    isems = bufs_and_sems[2 * NBUF:3 * NBUF]
    osems = bufs_and_sems[3 * NBUF:]
    wid = lax.axis_index("s") * NC + lax.axis_index("c")
    wbase = wid * RPW

    pltpu.sync_copy(perm_hbm, perm_v)
    for b in range(NBUF):
      pltpu.async_copy(z_hbm.at[pl.ds(wbase + b * RB, RB)], ins[b], isems[b])

    @pl.loop(0, NGROUP)
    def _grp(p):
      for b in range(NBUF):
        kk = p * NBUF + b
        base = wbase + kk * RB
        src = ins[b]
        dst = outs[b]
        pltpu.make_async_copy(z_hbm.at[pl.ds(wbase, RB)], src, isems[b]).wait()
        @pl.when(p > 0)
        def _():
          pltpu.make_async_copy(
              dst, out_hbm.at[pl.ds(wbase, RB)], osems[b]).wait()

        @plsc.parallel_loop(0, CBLKS, step=1, unroll=CBU)
        def _cblk(cb):
          col = cb * L
          idx = perm_v[pl.ds(col, L)]
          for r in range(RB):
            row_idx = jnp.full((L,), r, dtype=jnp.int32)
            dst[r, pl.ds(col, L)] = plsc.load_gather(src, [row_idx, idx])

        @pl.when(p < NGROUP - 1)
        def _():
          pltpu.async_copy(
              z_hbm.at[pl.ds(base + NBUF * RB, RB)], src, isems[b])

        pltpu.async_copy(dst, out_hbm.at[pl.ds(base, RB)], osems[b])

    for b in range(NBUF):
      pltpu.make_async_copy(
          outs[b], out_hbm.at[pl.ds(wbase, RB)], osems[b]).wait()

  return k(z, perm)


def kernel(z, perm):
  z_out = _permute_sc(z, perm.astype(jnp.int32))
  log_det = jnp.zeros((z.shape[0],), dtype=z.dtype)
  return (z_out, log_det)

# --- scband reference (transcript-rebuilt; emitter-appended) ---
"""Pipeline reference for scband-permute-29807073034699 (READ-ONLY COPY).

The authoritative reference and input builder live on the scoring server;
editing this copy changes nothing except your own understanding.
"""

import jax, jax.numpy as jnp
import numpy as np

NUM_CHANNELS = 4096
ROWS = 8192

def setup_inputs(seed: int = 0) -> dict:
    key = jax.random.key(seed)
    k1, k2 = jax.random.split(key)
    z = jax.random.normal(k1, (ROWS, NUM_CHANNELS), dtype=jnp.float32)
    # buffer: random permutation of channels (equivalent to torch.randperm in __init__)
    perm = jax.random.permutation(k2, NUM_CHANNELS)
    return {"z": z, "perm": perm}

def reference(z, perm):
    # mode == 'shuffle': gather channels according to perm
    z_out = jnp.take(z, perm, axis=1)
    log_det = jnp.zeros((z.shape[0],), dtype=z.dtype)
    return (z_out, log_det)

if __name__ == "__main__":
    import jax
    _d = setup_inputs()
    print(jax.jit(kernel)(*tuple(_d.values())))

</pallas_src>

<mosaic_0001>
#map = affine_map<(d0, d1) -> (0, 0)>
#map1 = affine_map<(d0, d1) -> (0)>
module attributes {stable_mosaic.version = 14 : i64} {
  func.func @k(%arg0: i32, %arg1: i32, %arg2: memref<8192x4096xf32, #tpu.memory_space<hbm>>, %arg3: memref<4096xi32, #tpu.memory_space<hbm>>, %arg4: memref<8192x4096xf32, #tpu.memory_space<hbm>>, %arg5: memref<4096xi32, #tpu.memory_space<vmem>>, %arg6: memref<2x4096xf32, #tpu.memory_space<vmem>>, %arg7: memref<2x4096xf32, #tpu.memory_space<vmem>>, %arg8: memref<2x4096xf32, #tpu.memory_space<vmem>>, %arg9: memref<2x4096xf32, #tpu.memory_space<vmem>>, %arg10: memref<2x4096xf32, #tpu.memory_space<vmem>>, %arg11: memref<2x4096xf32, #tpu.memory_space<vmem>>, %arg12: memref<2x4096xf32, #tpu.memory_space<vmem>>, %arg13: memref<2x4096xf32, #tpu.memory_space<vmem>>, %arg14: memref<!tpu.dma_semaphore, #tpu.memory_space<semaphore_mem>>, %arg15: memref<!tpu.dma_semaphore, #tpu.memory_space<semaphore_mem>>, %arg16: memref<!tpu.dma_semaphore, #tpu.memory_space<semaphore_mem>>, %arg17: memref<!tpu.dma_semaphore, #tpu.memory_space<semaphore_mem>>, %arg18: memref<!tpu.dma_semaphore, #tpu.memory_space<semaphore_mem>>, %arg19: memref<!tpu.dma_semaphore, #tpu.memory_space<semaphore_mem>>, %arg20: memref<!tpu.dma_semaphore, #tpu.memory_space<semaphore_mem>>, %arg21: memref<!tpu.dma_semaphore, #tpu.memory_space<semaphore_mem>>) attributes {dimension_semantics = [#tpu.dimension_semantics<core_parallel>, #tpu.dimension_semantics<subcore_parallel>], iteration_bounds = array<i64: 2, 16>, scalar_prefetch = 0 : i64, scratch_operands = 17 : i64, tpu.core_type = #tpu.core_type<sc_vector_subcore>, window_params = [{transform_indices = #map}, {transform_indices = #map1}, {transform_indices = #map}]} {
    %mul3A = arith.constant 2 : i32
    %mul3A_0 = arith.muli %arg1, %mul3A : i32
    %add3A = arith.addi %mul3A_0, %arg0 : i32
    %mul3A_1 = arith.constant 256 : i32
    %mul3A_2 = arith.muli %add3A, %mul3A_1 : i32
    "tpu.region"() ({
      %run_scoped3A = tpu.sem_alloc : memref<!tpu.dma_semaphore, #tpu.memory_space<semaphore_mem>>
      tpu.enqueue_dma source(%arg3 : memref<4096xi32, #tpu.memory_space<hbm>>) target(%arg5 : memref<4096xi32, #tpu.memory_space<vmem>>) target_semaphore(%run_scoped3A : memref<!tpu.dma_semaphore, #tpu.memory_space<semaphore_mem>>)
      tpu.wait_dma2 semaphore(%run_scoped3A : memref<!tpu.dma_semaphore, #tpu.memory_space<semaphore_mem>>) src(%arg3 : memref<4096xi32, #tpu.memory_space<hbm>>) dst(%arg5 : memref<4096xi32, #tpu.memory_space<vmem>>)
      tpu.yield
    }) : () -> ()
    %add3A_3 = arith.constant 0 : i32
    %add3A_4 = arith.addi %mul3A_2, %add3A_3 : i32
    %dma_start3A = arith.constant 0 : i32
    %dma_start3A_5 = tpu.memref_slice %arg2[%add3A_4, %dma_start3A] : memref<8192x4096xf32, #tpu.memory_space<hbm>> -> memref<2x4096xf32, #tpu.memory_space<hbm>>
    %dma_start3A_6 = arith.constant 0 : i32
    %dma_start3A_7 = tpu.memref_slice %arg2[%add3A_4, %dma_start3A_6] : memref<8192x4096xf32, #tpu.memory_space<hbm>> -> memref<2x4096xf32, #tpu.memory_space<hbm>>
    tpu.enqueue_dma source(%dma_start3A_7 : memref<2x4096xf32, #tpu.memory_space<hbm>>) target(%arg6 : memref<2x4096xf32, #tpu.memory_space<vmem>>) target_semaphore(%arg14 : memref<!tpu.dma_semaphore, #tpu.memory_space<semaphore_mem>>)
    %add3A_8 = arith.constant 2 : i32
    %add3A_9 = arith.addi %mul3A_2, %add3A_8 : i32
    %dma_start3A_10 = arith.constant 0 : i32
    %dma_start3A_11 = tpu.memref_slice %arg2[%add3A_9, %dma_start3A_10] : memref<8192x4096xf32, #tpu.memory_space<hbm>> -> memref<2x4096xf32, #tpu.memory_space<hbm>>
    %dma_start3A_12 = arith.constant 0 : i32
    %dma_start3A_13 = tpu.memref_slice %arg2[%add3A_9, %dma_start3A_12] : memref<8192x4096xf32, #tpu.memory_space<hbm>> -> memref<2x4096xf32, #tpu.memory_space<hbm>>
    tpu.enqueue_dma source(%dma_start3A_13 : memref<2x4096xf32, #tpu.memory_space<hbm>>) target(%arg7 : memref<2x4096xf32, #tpu.memory_space<vmem>>) target_semaphore(%arg15 : memref<!tpu.dma_semaphore, #tpu.memory_space<semaphore_mem>>)
    %add3A_14 = arith.constant 4 : i32
    %add3A_15 = arith.addi %mul3A_2, %add3A_14 : i32
    %dma_start3A_16 = arith.constant 0 : i32
    %dma_start3A_17 = tpu.memref_slice %arg2[%add3A_15, %dma_start3A_16] : memref<8192x4096xf32, #tpu.memory_space<hbm>> -> memref<2x4096xf32, #tpu.memory_space<hbm>>
    %dma_start3A_18 = arith.constant 0 : i32
    %dma_start3A_19 = tpu.memref_slice %arg2[%add3A_15, %dma_start3A_18] : memref<8192x4096xf32, #tpu.memory_space<hbm>> -> memref<2x4096xf32, #tpu.memory_space<hbm>>
    tpu.enqueue_dma source(%dma_start3A_19 : memref<2x4096xf32, #tpu.memory_space<hbm>>) target(%arg8 : memref<2x4096xf32, #tpu.memory_space<vmem>>) target_semaphore(%arg16 : memref<!tpu.dma_semaphore, #tpu.memory_space<semaphore_mem>>)
    %add3A_20 = arith.constant 6 : i32
    %add3A_21 = arith.addi %mul3A_2, %add3A_20 : i32
    %dma_start3A_22 = arith.constant 0 : i32
    %dma_start3A_23 = tpu.memref_slice %arg2[%add3A_21, %dma_start3A_22] : memref<8192x4096xf32, #tpu.memory_space<hbm>> -> memref<2x4096xf32, #tpu.memory_space<hbm>>
    %dma_start3A_24 = arith.constant 0 : i32
    %dma_start3A_25 = tpu.memref_slice %arg2[%add3A_21, %dma_start3A_24] : memref<8192x4096xf32, #tpu.memory_space<hbm>> -> memref<2x4096xf32, #tpu.memory_space<hbm>>
    tpu.enqueue_dma source(%dma_start3A_25 : memref<2x4096xf32, #tpu.memory_space<hbm>>) target(%arg9 : memref<2x4096xf32, #tpu.memory_space<vmem>>) target_semaphore(%arg17 : memref<!tpu.dma_semaphore, #tpu.memory_space<semaphore_mem>>)
    %scan3A = arith.constant 0 : i32
    %scan3A_26 = arith.constant 32 : i32
    %scan3A_27 = arith.addi %scan3A, %scan3A_26 : i32
    %scan3A_28 = arith.constant 1 : i32
    scf.for %scan3A_45 = %scan3A to %scan3A_27 step %scan3A_28  : i32 {
      %mul3A_46 = arith.constant 1 : i32
      %mul3A_47 = arith.muli %scan3A_45, %mul3A_46 : i32
      %add3A_48 = arith.constant 0 : i32
      %add3A_49 = arith.addi %add3A_48, %mul3A_47 : i32
      %mul3A_50 = arith.constant 4 : i32
      %mul3A_51 = arith.muli %add3A_49, %mul3A_50 : i32
      %add3A_52 = arith.constant 0 : i32
      %add3A_53 = arith.addi %mul3A_51, %add3A_52 : i32
      %mul3A_54 = arith.constant 2 : i32
      %mul3A_55 = arith.muli %add3A_53, %mul3A_54 : i32
      %add3A_56 = arith.addi %mul3A_2, %mul3A_55 : i32
      %dma_wait3A_57 = arith.constant 0 : i32
      %dma_wait3A_58 = tpu.memref_slice %arg2[%mul3A_2, %dma_wait3A_57] : memref<8192x4096xf32, #tpu.memory_space<hbm>> -> memref<2x4096xf32, #tpu.memory_space<hbm>>
      %dma_wait3A_59 = arith.constant 0 : i32
      %dma_wait3A_60 = tpu.memref_slice %arg2[%mul3A_2, %dma_wait3A_59] : memref<8192x4096xf32, #tpu.memory_space<hbm>> -> memref<2x4096xf32, #tpu.memory_space<hbm>>
      tpu.wait_dma2 semaphore(%arg14 : memref<!tpu.dma_semaphore, #tpu.memory_space<semaphore_mem>>) src(%dma_wait3A_60 : memref<2x4096xf32, #tpu.memory_space<hbm>>) dst(%arg6 : memref<2x4096xf32, #tpu.memory_space<vmem>>)
      %gt3A = arith.constant 0 : i32
      %gt3A_61 = arith.cmpi sgt, %add3A_49, %gt3A : i32
      %convert_element_type3A = arith.extui %gt3A_61 : i1 to i32
      %cond3A = arith.constant 0 : i32
      %cond3A_62 = arith.cmpi ne, %convert_element_type3A, %cond3A : i32
      scf.if %cond3A_62 {
        %dma_wait3A_157 = arith.constant 0 : i32
        %dma_wait3A_158 = tpu.memref_slice %arg4[%mul3A_2, %dma_wait3A_157] : memref<8192x4096xf32, #tpu.memory_space<hbm>> -> memref<2x4096xf32, #tpu.memory_space<hbm>>
        %dma_wait3A_159 = arith.constant 0 : i32
        %dma_wait3A_160 = tpu.memref_slice %arg4[%mul3A_2, %dma_wait3A_159] : memref<8192x4096xf32, #tpu.memory_space<hbm>> -> memref<2x4096xf32, #tpu.memory_space<hbm>>
        tpu.wait_dma2 semaphore(%arg18 : memref<!tpu.dma_semaphore, #tpu.memory_space<semaphore_mem>>) src(%arg10 : memref<2x4096xf32, #tpu.memory_space<vmem>>) dst(%dma_wait3A_160 : memref<2x4096xf32, #tpu.memory_space<hbm>>)
      } else {
      }
      %parallel_loop3A = arith.constant 0 : i32
      %parallel_loop3A_63 = arith.constant 256 : i32
      %parallel_loop3A_64 = arith.constant 1 : i32
      scf.for %parallel_loop3A_157 = %parallel_loop3A to %parallel_loop3A_63 step %parallel_loop3A_64  : i32 {
        %parallel_loop3A_158 = arith.constant 16 : i32
        %parallel_loop3A_159 = arith.muli %parallel_loop3A_157, %parallel_loop3A_158 : i32
        %parallel_loop3A_160 = arith.index_cast %parallel_loop3A_159 : i32 to index
        %parallel_loop3A_161 = tpu.vector_load %arg5[%parallel_loop3A_160] {strides = array<i32>} : memref<4096xi32, #tpu.memory_space<vmem>>, vector<16xi32>,
        %parallel_loop3A_162 = arith.constant 0 : i32
        %parallel_loop3A_163 = vector.broadcast %parallel_loop3A_162 : i32 to vector<16xi32>
        %parallel_loop3A_164 = tpu.vector_load_idx %arg6[%parallel_loop3A_163, %parallel_loop3A_161] : memref<2x4096xf32, #tpu.memory_space<vmem>>[vector<16xi32>, vector<16xi32>], vector<16xf32>,
        %parallel_loop3A_165 = arith.constant 0 : i32
        %parallel_loop3A_166 = arith.index_cast %parallel_loop3A_165 : i32 to index
        %parallel_loop3A_167 = arith.index_cast %parallel_loop3A_159 : i32 to index
        %parallel_loop3A_168 = tpu.vector_load %arg10[%parallel_loop3A_166, %parallel_loop3A_167] {strides = array<i32>} : memref<2x4096xf32, #tpu.memory_space<vmem>>, vector<16xf32>,
        tpu.vector_store %arg10[%parallel_loop3A_166, %parallel_loop3A_167], %parallel_loop3A_164 {strides = array<i32>} : memref<2x4096xf32, #tpu.memory_space<vmem>>, vector<16xf32>,
        %parallel_loop3A_169 = arith.constant 1 : i32
        %parallel_loop3A_170 = vector.broadcast %parallel_loop3A_169 : i32 to vector<16xi32>
        %parallel_loop3A_171 = tpu.vector_load_idx %arg6[%parallel_loop3A_170, %parallel_loop3A_161] : memref<2x4096xf32, #tpu.memory_space<vmem>>[vector<16xi32>, vector<16xi32>], vector<16xf32>,
        %parallel_loop3A_172 = arith.constant 1 : i32
        %parallel_loop3A_173 = arith.index_cast %parallel_loop3A_172 : i32 to index
        %parallel_loop3A_174 = arith.index_cast %parallel_loop3A_159 : i32 to index
        %parallel_loop3A_175 = tpu.vector_load %arg10[%parallel_loop3A_173, %parallel_loop3A_174] {strides = array<i32>} : memref<2x4096xf32, #tpu.memory_space<vmem>>, vector<16xf32>,
        tpu.vector_store %arg10[%parallel_loop3A_173, %parallel_loop3A_174], %parallel_loop3A_171 {strides = array<i32>} : memref<2x4096xf32, #tpu.memory_space<vmem>>, vector<16xf32>,
      } {sc.loop_unroll_factor = 8 : i64, sc.parallel_access}
      %lt3A = arith.constant 31 : i32
      %lt3A_65 = arith.cmpi slt, %add3A_49, %lt3A : i32
      %convert_element_type3A_66 = arith.extui %lt3A_65 : i1 to i32
      %cond3A_67 = arith.constant 0 : i32
      %cond3A_68 = arith.cmpi ne, %convert_element_type3A_66, %cond3A_67 : i32
      scf.if %cond3A_68 {
        %add3A_157 = arith.constant 8 : i32
        %add3A_158 = arith.addi %add3A_56, %add3A_157 : i32
        %dma_start3A_159 = arith.constant 0 : i32
        %dma_start3A_160 = tpu.memref_slice %arg2[%add3A_158, %dma_start3A_159] : memref<8192x4096xf32, #tpu.memory_space<hbm>> -> memref<2x4096xf32, #tpu.memory_space<hbm>>
        %dma_start3A_161 = arith.constant 0 : i32
        %dma_start3A_162 = tpu.memref_slice %arg2[%add3A_158, %dma_start3A_161] : memref<8192x4096xf32, #tpu.memory_space<hbm>> -> memref<2x4096xf32, #tpu.memory_space<hbm>>
        tpu.enqueue_dma source(%dma_start3A_162 : memref<2x4096xf32, #tpu.memory_space<hbm>>) target(%arg6 : memref<2x4096xf32, #tpu.memory_space<vmem>>) target_semaphore(%arg14 : memref<!tpu.dma_semaphore, #tpu.memory_space<semaphore_mem>>)
      } else {
      }
      %dma_start3A_69 = arith.constant 0 : i32
      %dma_start3A_70 = tpu.memref_slice %arg4[%add3A_56, %dma_start3A_69] : memref<8192x4096xf32, #tpu.memory_space<hbm>> -> memref<2x4096xf32, #tpu.memory_space<hbm>>
      %dma_start3A_71 = arith.constant 0 : i32
      %dma_start3A_72 = tpu.memref_slice %arg4[%add3A_56, %dma_start3A_71] : memref<8192x4096xf32, #tpu.memory_space<hbm>> -> memref<2x4096xf32, #tpu.memory_space<hbm>>
      tpu.enqueue_dma source(%arg10 : memref<2x4096xf32, #tpu.memory_space<vmem>>) target(%dma_start3A_72 : memref<2x4096xf32, #tpu.memory_space<hbm>>) target_semaphore(%arg18 : memref<!tpu.dma_semaphore, #tpu.memory_space<semaphore_mem>>)
      %mul3A_73 = arith.constant 4 : i32
      %mul3A_74 = arith.muli %add3A_49, %mul3A_73 : i32
      %add3A_75 = arith.constant 1 : i32
      %add3A_76 = arith.addi %mul3A_74, %add3A_75 : i32
      %mul3A_77 = arith.constant 2 : i32
      %mul3A_78 = arith.muli %add3A_76, %mul3A_77 : i32
      %add3A_79 = arith.addi %mul3A_2, %mul3A_78 : i32
      %dma_wait3A_80 = arith.constant 0 : i32
      %dma_wait3A_81 = tpu.memref_slice %arg2[%mul3A_2, %dma_wait3A_80] : memref<8192x4096xf32, #tpu.memory_space<hbm>> -> memref<2x4096xf32, #tpu.memory_space<hbm>>
      %dma_wait3A_82 = arith.constant 0 : i32
      %dma_wait3A_83 = tpu.memref_slice %arg2[%mul3A_2, %dma_wait3A_82] : memref<8192x4096xf32, #tpu.memory_space<hbm>> -> memref<2x4096xf32, #tpu.memory_space<hbm>>
      tpu.wait_dma2 semaphore(%arg15 : memref<!tpu.dma_semaphore, #tpu.memory_space<semaphore_mem>>) src(%dma_wait3A_83 : memref<2x4096xf32, #tpu.memory_space<hbm>>) dst(%arg7 : memref<2x4096xf32, #tpu.memory_space<vmem>>)
      %gt3A_84 = arith.constant 0 : i32
      %gt3A_85 = arith.cmpi sgt, %add3A_49, %gt3A_84 : i32
      %convert_element_type3A_86 = arith.extui %gt3A_85 : i1 to i32
      %cond3A_87 = arith.constant 0 : i32
      %cond3A_88 = arith.cmpi ne, %convert_element_type3A_86, %cond3A_87 : i32
      scf.if %cond3A_88 {
        %dma_wait3A_157 = arith.constant 0 : i32
        %dma_wait3A_158 = tpu.memref_slice %arg4[%mul3A_2, %dma_wait3A_157] : memref<8192x4096xf32, #tpu.memory_space<hbm>> -> memref<2x4096xf32, #tpu.memory_space<hbm>>
        %dma_wait3A_159 = arith.constant 0 : i32
        %dma_wait3A_160 = tpu.memref_slice %arg4[%mul3A_2, %dma_wait3A_159] : memref<8192x4096xf32, #tpu.memory_space<hbm>> -> memref<2x4096xf32, #tpu.memory_space<hbm>>
        tpu.wait_dma2 semaphore(%arg19 : memref<!tpu.dma_semaphore, #tpu.memory_space<semaphore_mem>>) src(%arg11 : memref<2x4096xf32, #tpu.memory_space<vmem>>) dst(%dma_wait3A_160 : memref<2x4096xf32, #tpu.memory_space<hbm>>)
      } else {
      }
      %parallel_loop3A_89 = arith.constant 0 : i32
      %parallel_loop3A_90 = arith.constant 256 : i32
      %parallel_loop3A_91 = arith.constant 1 : i32
      scf.for %parallel_loop3A_157 = %parallel_loop3A_89 to %parallel_loop3A_90 step %parallel_loop3A_91  : i32 {
        %parallel_loop3A_158 = arith.constant 16 : i32
        %parallel_loop3A_159 = arith.muli %parallel_loop3A_157, %parallel_loop3A_158 : i32
        %parallel_loop3A_160 = arith.index_cast %parallel_loop3A_159 : i32 to index
        %parallel_loop3A_161 = tpu.vector_load %arg5[%parallel_loop3A_160] {strides = array<i32>} : memref<4096xi32, #tpu.memory_space<vmem>>, vector<16xi32>,
        %parallel_loop3A_162 = arith.constant 0 : i32
        %parallel_loop3A_163 = vector.broadcast %parallel_loop3A_162 : i32 to vector<16xi32>
        %parallel_loop3A_164 = tpu.vector_load_idx %arg7[%parallel_loop3A_163, %parallel_loop3A_161] : memref<2x4096xf32, #tpu.memory_space<vmem>>[vector<16xi32>, vector<16xi32>], vector<16xf32>,
        %parallel_loop3A_165 = arith.constant 0 : i32
        %parallel_loop3A_166 = arith.index_cast %parallel_loop3A_165 : i32 to index
        %parallel_loop3A_167 = arith.index_cast %parallel_loop3A_159 : i32 to index
        %parallel_loop3A_168 = tpu.vector_load %arg11[%parallel_loop3A_166, %parallel_loop3A_167] {strides = array<i32>} : memref<2x4096xf32, #tpu.memory_space<vmem>>, vector<16xf32>,
        tpu.vector_store %arg11[%parallel_loop3A_166, %parallel_loop3A_167], %parallel_loop3A_164 {strides = array<i32>} : memref<2x4096xf32, #tpu.memory_space<vmem>>, vector<16xf32>,
        %parallel_loop3A_169 = arith.constant 1 : i32
        %parallel_loop3A_170 = vector.broadcast %parallel_loop3A_169 : i32 to vector<16xi32>
        %parallel_loop3A_171 = tpu.vector_load_idx %arg7[%parallel_loop3A_170, %parallel_loop3A_161] : memref<2x4096xf32, #tpu.memory_space<vmem>>[vector<16xi32>, vector<16xi32>], vector<16xf32>,
        %parallel_loop3A_172 = arith.constant 1 : i32
        %parallel_loop3A_173 = arith.index_cast %parallel_loop3A_172 : i32 to index
        %parallel_loop3A_174 = arith.index_cast %parallel_loop3A_159 : i32 to index
        %parallel_loop3A_175 = tpu.vector_load %arg11[%parallel_loop3A_173, %parallel_loop3A_174] {strides = array<i32>} : memref<2x4096xf32, #tpu.memory_space<vmem>>, vector<16xf32>,
        tpu.vector_store %arg11[%parallel_loop3A_173, %parallel_loop3A_174], %parallel_loop3A_171 {strides = array<i32>} : memref<2x4096xf32, #tpu.memory_space<vmem>>, vector<16xf32>,
      } {sc.loop_unroll_factor = 8 : i64, sc.parallel_access}
      %lt3A_92 = arith.constant 31 : i32
      %lt3A_93 = arith.cmpi slt, %add3A_49, %lt3A_92 : i32
      %convert_element_type3A_94 = arith.extui %lt3A_93 : i1 to i32
      %cond3A_95 = arith.constant 0 : i32
      %cond3A_96 = arith.cmpi ne, %convert_element_type3A_94, %cond3A_95 : i32
      scf.if %cond3A_96 {
        %add3A_157 = arith.constant 8 : i32
        %add3A_158 = arith.addi %add3A_79, %add3A_157 : i32
        %dma_start3A_159 = arith.constant 0 : i32
        %dma_start3A_160 = tpu.memref_slice %arg2[%add3A_158, %dma_start3A_159] : memref<8192x4096xf32, #tpu.memory_space<hbm>> -> memref<2x4096xf32, #tpu.memory_space<hbm>>
        %dma_start3A_161 = arith.constant 0 : i32
        %dma_start3A_162 = tpu.memref_slice %arg2[%add3A_158, %dma_start3A_161] : memref<8192x4096xf32, #tpu.memory_space<hbm>> -> memref<2x4096xf32, #tpu.memory_space<hbm>>
        tpu.enqueue_dma source(%dma_start3A_162 : memref<2x4096xf32, #tpu.memory_space<hbm>>) target(%arg7 : memref<2x4096xf32, #tpu.memory_space<vmem>>) target_semaphore(%arg15 : memref<!tpu.dma_semaphore, #tpu.memory_space<semaphore_mem>>)
      } else {
      }
      %dma_start3A_97 = arith.constant 0 : i32
      %dma_start3A_98 = tpu.memref_slice %arg4[%add3A_79, %dma_start3A_97] : memref<8192x4096xf32, #tpu.memory_space<hbm>> -> memref<2x4096xf32, #tpu.memory_space<hbm>>
      %dma_start3A_99 = arith.constant 0 : i32
      %dma_start3A_100 = tpu.memref_slice %arg4[%add3A_79, %dma_start3A_99] : memref<8192x4096xf32, #tpu.memory_space<hbm>> -> memref<2x4096xf32, #tpu.memory_space<hbm>>
      tpu.enqueue_dma source(%arg11 : memref<2x4096xf32, #tpu.memory_space<vmem>>) target(%dma_start3A_100 : memref<2x4096xf32, #tpu.memory_space<hbm>>) target_semaphore(%arg19 : memref<!tpu.dma_semaphore, #tpu.memory_space<semaphore_mem>>)
      %mul3A_101 = arith.constant 4 : i32
      %mul3A_102 = arith.muli %add3A_49, %mul3A_101 : i32
      %add3A_103 = arith.constant 2 : i32
      %add3A_104 = arith.addi %mul3A_102, %add3A_103 : i32
      %mul3A_105 = arith.constant 2 : i32
      %mul3A_106 = arith.muli %add3A_104, %mul3A_105 : i32
      %add3A_107 = arith.addi %mul3A_2, %mul3A_106 : i32
      %dma_wait3A_108 = arith.constant 0 : i32
      %dma_wait3A_109 = tpu.memref_slice %arg2[%mul3A_2, %dma_wait3A_108] : memref<8192x4096xf32, #tpu.memory_space<hbm>> -> memref<2x4096xf32, #tpu.memory_space<hbm>>
      %dma_wait3A_110 = arith.constant 0 : i32
      %dma_wait3A_111 = tpu.memref_slice %arg2[%mul3A_2, %dma_wait3A_110] : memref<8192x4096xf32, #tpu.memory_space<hbm>> -> memref<2x4096xf32, #tpu.memory_space<hbm>>
      tpu.wait_dma2 semaphore(%arg16 : memref<!tpu.dma_semaphore, #tpu.memory_space<semaphore_mem>>) src(%dma_wait3A_111 : memref<2x4096xf32, #tpu.memory_space<hbm>>) dst(%arg8 : memref<2x4096xf32, #tpu.memory_space<vmem>>)
      %gt3A_112 = arith.constant 0 : i32
      %gt3A_113 = arith.cmpi sgt, %add3A_49, %gt3A_112 : i32
      %convert_element_type3A_114 = arith.extui %gt3A_113 : i1 to i32
      %cond3A_115 = arith.constant 0 : i32
      %cond3A_116 = arith.cmpi ne, %convert_element_type3A_114, %cond3A_115 : i32
      scf.if %cond3A_116 {
        %dma_wait3A_157 = arith.constant 0 : i32
        %dma_wait3A_158 = tpu.memref_slice %arg4[%mul3A_2, %dma_wait3A_157] : memref<8192x4096xf32, #tpu.memory_space<hbm>> -> memref<2x4096xf32, #tpu.memory_space<hbm>>
        %dma_wait3A_159 = arith.constant 0 : i32
        %dma_wait3A_160 = tpu.memref_slice %arg4[%mul3A_2, %dma_wait3A_159] : memref<8192x4096xf32, #tpu.memory_space<hbm>> -> memref<2x4096xf32, #tpu.memory_space<hbm>>
        tpu.wait_dma2 semaphore(%arg20 : memref<!tpu.dma_semaphore, #tpu.memory_space<semaphore_mem>>) src(%arg12 : memref<2x4096xf32, #tpu.memory_space<vmem>>) dst(%dma_wait3A_160 : memref<2x4096xf32, #tpu.memory_space<hbm>>)
      } else {
      }
      %parallel_loop3A_117 = arith.constant 0 : i32
      %parallel_loop3A_118 = arith.constant 256 : i32
      %parallel_loop3A_119 = arith.constant 1 : i32
      scf.for %parallel_loop3A_157 = %parallel_loop3A_117 to %parallel_loop3A_118 step %parallel_loop3A_119  : i32 {
        %parallel_loop3A_158 = arith.constant 16 : i32
        %parallel_loop3A_159 = arith.muli %parallel_loop3A_157, %parallel_loop3A_158 : i32
        %parallel_loop3A_160 = arith.index_cast %parallel_loop3A_159 : i32 to index
        %parallel_loop3A_161 = tpu.vector_load %arg5[%parallel_loop3A_160] {strides = array<i32>} : memref<4096xi32, #tpu.memory_space<vmem>>, vector<16xi32>,
        %parallel_loop3A_162 = arith.constant 0 : i32
        %parallel_loop3A_163 = vector.broadcast %parallel_loop3A_162 : i32 to vector<16xi32>
        %parallel_loop3A_164 = tpu.vector_load_idx %arg8[%parallel_loop3A_163, %parallel_loop3A_161] : memref<2x4096xf32, #tpu.memory_space<vmem>>[vector<16xi32>, vector<16xi32>], vector<16xf32>,
        %parallel_loop3A_165 = arith.constant 0 : i32
        %parallel_loop3A_166 = arith.index_cast %parallel_loop3A_165 : i32 to index
        %parallel_loop3A_167 = arith.index_cast %parallel_loop3A_159 : i32 to index
        %parallel_loop3A_168 = tpu.vector_load %arg12[%parallel_loop3A_166, %parallel_loop3A_167] {strides = array<i32>} : memref<2x4096xf32, #tpu.memory_space<vmem>>, vector<16xf32>,
        tpu.vector_store %arg12[%parallel_loop3A_166, %parallel_loop3A_167], %parallel_loop3A_164 {strides = array<i32>} : memref<2x4096xf32, #tpu.memory_space<vmem>>, vector<16xf32>,
        %parallel_loop3A_169 = arith.constant 1 : i32
        %parallel_loop3A_170 = vector.broadcast %parallel_loop3A_169 : i32 to vector<16xi32>
        %parallel_loop3A_171 = tpu.vector_load_idx %arg8[%parallel_loop3A_170, %parallel_loop3A_161] : memref<2x4096xf32, #tpu.memory_space<vmem>>[vector<16xi32>, vector<16xi32>], vector<16xf32>,
        %parallel_loop3A_172 = arith.constant 1 : i32
        %parallel_loop3A_173 = arith.index_cast %parallel_loop3A_172 : i32 to index
        %parallel_loop3A_174 = arith.index_cast %parallel_loop3A_159 : i32 to index
        %parallel_loop3A_175 = tpu.vector_load %arg12[%parallel_loop3A_173, %parallel_loop3A_174] {strides = array<i32>} : memref<2x4096xf32, #tpu.memory_space<vmem>>, vector<16xf32>,
        tpu.vector_store %arg12[%parallel_loop3A_173, %parallel_loop3A_174], %parallel_loop3A_171 {strides = array<i32>} : memref<2x4096xf32, #tpu.memory_space<vmem>>, vector<16xf32>,
      } {sc.loop_unroll_factor = 8 : i64, sc.parallel_access}
      %lt3A_120 = arith.constant 31 : i32
      %lt3A_121 = arith.cmpi slt, %add3A_49, %lt3A_120 : i32
      %convert_element_type3A_122 = arith.extui %lt3A_121 : i1 to i32
      %cond3A_123 = arith.constant 0 : i32
      %cond3A_124 = arith.cmpi ne, %convert_element_type3A_122, %cond3A_123 : i32
      scf.if %cond3A_124 {
        %add3A_157 = arith.constant 8 : i32
        %add3A_158 = arith.addi %add3A_107, %add3A_157 : i32
        %dma_start3A_159 = arith.constant 0 : i32
        %dma_start3A_160 = tpu.memref_slice %arg2[%add3A_158, %dma_start3A_159] : memref<8192x4096xf32, #tpu.memory_space<hbm>> -> memref<2x4096xf32, #tpu.memory_space<hbm>>
        %dma_start3A_161 = arith.constant 0 : i32
        %dma_start3A_162 = tpu.memref_slice %arg2[%add3A_158, %dma_start3A_161] : memref<8192x4096xf32, #tpu.memory_space<hbm>> -> memref<2x4096xf32, #tpu.memory_space<hbm>>
        tpu.enqueue_dma source(%dma_start3A_162 : memref<2x4096xf32, #tpu.memory_space<hbm>>) target(%arg8 : memref<2x4096xf32, #tpu.memory_space<vmem>>) target_semaphore(%arg16 : memref<!tpu.dma_semaphore, #tpu.memory_space<semaphore_mem>>)
      } else {
      }
      %dma_start3A_125 = arith.constant 0 : i32
      %dma_start3A_126 = tpu.memref_slice %arg4[%add3A_107, %dma_start3A_125] : memref<8192x4096xf32, #tpu.memory_space<hbm>> -> memref<2x4096xf32, #tpu.memory_space<hbm>>
      %dma_start3A_127 = arith.constant 0 : i32
      %dma_start3A_128 = tpu.memref_slice %arg4[%add3A_107, %dma_start3A_127] : memref<8192x4096xf32, #tpu.memory_space<hbm>> -> memref<2x4096xf32, #tpu.memory_space<hbm>>
      tpu.enqueue_dma source(%arg12 : memref<2x4096xf32, #tpu.memory_space<vmem>>) target(%dma_start3A_128 : memref<2x4096xf32, #tpu.memory_space<hbm>>) target_semaphore(%arg20 : memref<!tpu.dma_semaphore, #tpu.memory_space<semaphore_mem>>)
      %mul3A_129 = arith.constant 4 : i32
      %mul3A_130 = arith.muli %add3A_49, %mul3A_129 : i32
      %add3A_131 = arith.constant 3 : i32
      %add3A_132 = arith.addi %mul3A_130, %add3A_131 : i32
      %mul3A_133 = arith.constant 2 : i32
      %mul3A_134 = arith.muli %add3A_132, %mul3A_133 : i32
      %add3A_135 = arith.addi %mul3A_2, %mul3A_134 : i32
      %dma_wait3A_136 = arith.constant 0 : i32
      %dma_wait3A_137 = tpu.memref_slice %arg2[%mul3A_2, %dma_wait3A_136] : memref<8192x4096xf32, #tpu.memory_space<hbm>> -> memref<2x4096xf32, #tpu.memory_space<hbm>>
      %dma_wait3A_138 = arith.constant 0 : i32
      %dma_wait3A_139 = tpu.memref_slice %arg2[%mul3A_2, %dma_wait3A_138] : memref<8192x4096xf32, #tpu.memory_space<hbm>> -> memref<2x4096xf32, #tpu.memory_space<hbm>>
      tpu.wait_dma2 semaphore(%arg17 : memref<!tpu.dma_semaphore, #tpu.memory_space<semaphore_mem>>) src(%dma_wait3A_139 : memref<2x4096xf32, #tpu.memory_space<hbm>>) dst(%arg9 : memref<2x4096xf32, #tpu.memory_space<vmem>>)
      %gt3A_140 = arith.constant 0 : i32
      %gt3A_141 = arith.cmpi sgt, %add3A_49, %gt3A_140 : i32
      %convert_element_type3A_142 = arith.extui %gt3A_141 : i1 to i32
      %cond3A_143 = arith.constant 0 : i32
      %cond3A_144 = arith.cmpi ne, %convert_element_type3A_142, %cond3A_143 : i32
      scf.if %cond3A_144 {
        %dma_wait3A_157 = arith.constant 0 : i32
        %dma_wait3A_158 = tpu.memref_slice %arg4[%mul3A_2, %dma_wait3A_157] : memref<8192x4096xf32, #tpu.memory_space<hbm>> -> memref<2x4096xf32, #tpu.memory_space<hbm>>
        %dma_wait3A_159 = arith.constant 0 : i32
        %dma_wait3A_160 = tpu.memref_slice %arg4[%mul3A_2, %dma_wait3A_159] : memref<8192x4096xf32, #tpu.memory_space<hbm>> -> memref<2x4096xf32, #tpu.memory_space<hbm>>
        tpu.wait_dma2 semaphore(%arg21 : memref<!tpu.dma_semaphore, #tpu.memory_space<semaphore_mem>>) src(%arg13 : memref<2x4096xf32, #tpu.memory_space<vmem>>) dst(%dma_wait3A_160 : memref<2x4096xf32, #tpu.memory_space<hbm>>)
      } else {
      }
      %parallel_loop3A_145 = arith.constant 0 : i32
      %parallel_loop3A_146 = arith.constant 256 : i32
      %parallel_loop3A_147 = arith.constant 1 : i32
      scf.for %parallel_loop3A_157 = %parallel_loop3A_145 to %parallel_loop3A_146 step %parallel_loop3A_147  : i32 {
        %parallel_loop3A_158 = arith.constant 16 : i32
        %parallel_loop3A_159 = arith.muli %parallel_loop3A_157, %parallel_loop3A_158 : i32
        %parallel_loop3A_160 = arith.index_cast %parallel_loop3A_159 : i32 to index
        %parallel_loop3A_161 = tpu.vector_load %arg5[%parallel_loop3A_160] {strides = array<i32>} : memref<4096xi32, #tpu.memory_space<vmem>>, vector<16xi32>,
        %parallel_loop3A_162 = arith.constant 0 : i32
        %parallel_loop3A_163 = vector.broadcast %parallel_loop3A_162 : i32 to vector<16xi32>
        %parallel_loop3A_164 = tpu.vector_load_idx %arg9[%parallel_loop3A_163, %parallel_loop3A_161] : memref<2x4096xf32, #tpu.memory_space<vmem>>[vector<16xi32>, vector<16xi32>], vector<16xf32>,
        %parallel_loop3A_165 = arith.constant 0 : i32
        %parallel_loop3A_166 = arith.index_cast %parallel_loop3A_165 : i32 to index
        %parallel_loop3A_167 = arith.index_cast %parallel_loop3A_159 : i32 to index
        %parallel_loop3A_168 = tpu.vector_load %arg13[%parallel_loop3A_166, %parallel_loop3A_167] {strides = array<i32>} : memref<2x4096xf32, #tpu.memory_space<vmem>>, vector<16xf32>,
        tpu.vector_store %arg13[%parallel_loop3A_166, %parallel_loop3A_167], %parallel_loop3A_164 {strides = array<i32>} : memref<2x4096xf32, #tpu.memory_space<vmem>>, vector<16xf32>,
        %parallel_loop3A_169 = arith.constant 1 : i32
        %parallel_loop3A_170 = vector.broadcast %parallel_loop3A_169 : i32 to vector<16xi32>
        %parallel_loop3A_171 = tpu.vector_load_idx %arg9[%parallel_loop3A_170, %parallel_loop3A_161] : memref<2x4096xf32, #tpu.memory_space<vmem>>[vector<16xi32>, vector<16xi32>], vector<16xf32>,
        %parallel_loop3A_172 = arith.constant 1 : i32
        %parallel_loop3A_173 = arith.index_cast %parallel_loop3A_172 : i32 to index
        %parallel_loop3A_174 = arith.index_cast %parallel_loop3A_159 : i32 to index
        %parallel_loop3A_175 = tpu.vector_load %arg13[%parallel_loop3A_173, %parallel_loop3A_174] {strides = array<i32>} : memref<2x4096xf32, #tpu.memory_space<vmem>>, vector<16xf32>,
        tpu.vector_store %arg13[%parallel_loop3A_173, %parallel_loop3A_174], %parallel_loop3A_171 {strides = array<i32>} : memref<2x4096xf32, #tpu.memory_space<vmem>>, vector<16xf32>,
      } {sc.loop_unroll_factor = 8 : i64, sc.parallel_access}
      %lt3A_148 = arith.constant 31 : i32
      %lt3A_149 = arith.cmpi slt, %add3A_49, %lt3A_148 : i32
      %convert_element_type3A_150 = arith.extui %lt3A_149 : i1 to i32
      %cond3A_151 = arith.constant 0 : i32
      %cond3A_152 = arith.cmpi ne, %convert_element_type3A_150, %cond3A_151 : i32
      scf.if %cond3A_152 {
        %add3A_157 = arith.constant 8 : i32
        %add3A_158 = arith.addi %add3A_135, %add3A_157 : i32
        %dma_start3A_159 = arith.constant 0 : i32
        %dma_start3A_160 = tpu.memref_slice %arg2[%add3A_158, %dma_start3A_159] : memref<8192x4096xf32, #tpu.memory_space<hbm>> -> memref<2x4096xf32, #tpu.memory_space<hbm>>
        %dma_start3A_161 = arith.constant 0 : i32
        %dma_start3A_162 = tpu.memref_slice %arg2[%add3A_158, %dma_start3A_161] : memref<8192x4096xf32, #tpu.memory_space<hbm>> -> memref<2x4096xf32, #tpu.memory_space<hbm>>
        tpu.enqueue_dma source(%dma_start3A_162 : memref<2x4096xf32, #tpu.memory_space<hbm>>) target(%arg9 : memref<2x4096xf32, #tpu.memory_space<vmem>>) target_semaphore(%arg17 : memref<!tpu.dma_semaphore, #tpu.memory_space<semaphore_mem>>)
      } else {
      }
      %dma_start3A_153 = arith.constant 0 : i32
      %dma_start3A_154 = tpu.memref_slice %arg4[%add3A_135, %dma_start3A_153] : memref<8192x4096xf32, #tpu.memory_space<hbm>> -> memref<2x4096xf32, #tpu.memory_space<hbm>>
      %dma_start3A_155 = arith.constant 0 : i32
      %dma_start3A_156 = tpu.memref_slice %arg4[%add3A_135, %dma_start3A_155] : memref<8192x4096xf32, #tpu.memory_space<hbm>> -> memref<2x4096xf32, #tpu.memory_space<hbm>>
      tpu.enqueue_dma source(%arg13 : memref<2x4096xf32, #tpu.memory_space<vmem>>) target(%dma_start3A_156 : memref<2x4096xf32, #tpu.memory_space<hbm>>) target_semaphore(%arg21 : memref<!tpu.dma_semaphore, #tpu.memory_space<semaphore_mem>>)
    }
    %scan3A_29 = arith.constant 32 : i32
    %dma_wait3A = arith.constant 0 : i32
    %dma_wait3A_30 = tpu.memref_slice %arg4[%mul3A_2, %dma_wait3A] : memref<8192x4096xf32, #tpu.memory_space<hbm>> -> memref<2x4096xf32, #tpu.memory_space<hbm>>
    %dma_wait3A_31 = arith.constant 0 : i32
    %dma_wait3A_32 = tpu.memref_slice %arg4[%mul3A_2, %dma_wait3A_31] : memref<8192x4096xf32, #tpu.memory_space<hbm>> -> memref<2x4096xf32, #tpu.memory_space<hbm>>
    tpu.wait_dma2 semaphore(%arg18 : memref<!tpu.dma_semaphore, #tpu.memory_space<semaphore_mem>>) src(%arg10 : memref<2x4096xf32, #tpu.memory_space<vmem>>) dst(%dma_wait3A_32 : memref<2x4096xf32, #tpu.memory_space<hbm>>)
    %dma_wait3A_33 = arith.constant 0 : i32
    %dma_wait3A_34 = tpu.memref_slice %arg4[%mul3A_2, %dma_wait3A_33] : memref<8192x4096xf32, #tpu.memory_space<hbm>> -> memref<2x4096xf32, #tpu.memory_space<hbm>>
    %dma_wait3A_35 = arith.constant 0 : i32
    %dma_wait3A_36 = tpu.memref_slice %arg4[%mul3A_2, %dma_wait3A_35] : memref<8192x4096xf32, #tpu.memory_space<hbm>> -> memref<2x4096xf32, #tpu.memory_space<hbm>>
    tpu.wait_dma2 semaphore(%arg19 : memref<!tpu.dma_semaphore, #tpu.memory_space<semaphore_mem>>) src(%arg11 : memref<2x4096xf32, #tpu.memory_space<vmem>>) dst(%dma_wait3A_36 : memref<2x4096xf32, #tpu.memory_space<hbm>>)
    %dma_wait3A_37 = arith.constant 0 : i32
    %dma_wait3A_38 = tpu.memref_slice %arg4[%mul3A_2, %dma_wait3A_37] : memref<8192x4096xf32, #tpu.memory_space<hbm>> -> memref<2x4096xf32, #tpu.memory_space<hbm>>
    %dma_wait3A_39 = arith.constant 0 : i32
    %dma_wait3A_40 = tpu.memref_slice %arg4[%mul3A_2, %dma_wait3A_39] : memref<8192x4096xf32, #tpu.memory_space<hbm>> -> memref<2x4096xf32, #tpu.memory_space<hbm>>
    tpu.wait_dma2 semaphore(%arg20 : memref<!tpu.dma_semaphore, #tpu.memory_space<semaphore_mem>>) src(%arg12 : memref<2x4096xf32, #tpu.memory_space<vmem>>) dst(%dma_wait3A_40 : memref<2x4096xf32, #tpu.memory_space<hbm>>)
    %dma_wait3A_41 = arith.constant 0 : i32
    %dma_wait3A_42 = tpu.memref_slice %arg4[%mul3A_2, %dma_wait3A_41] : memref<8192x4096xf32, #tpu.memory_space<hbm>> -> memref<2x4096xf32, #tpu.memory_space<hbm>>
    %dma_wait3A_43 = arith.constant 0 : i32
    %dma_wait3A_44 = tpu.memref_slice %arg4[%mul3A_2, %dma_wait3A_43] : memref<8192x4096xf32, #tpu.memory_space<hbm>> -> memref<2x4096xf32, #tpu.memory_space<hbm>>
    tpu.wait_dma2 semaphore(%arg21 : memref<!tpu.dma_semaphore, #tpu.memory_space<semaphore_mem>>) src(%arg13 : memref<2x4096xf32, #tpu.memory_space<vmem>>) dst(%dma_wait3A_44 : memref<2x4096xf32, #tpu.memory_space<hbm>>)
    return
  }
}

</mosaic_0001>

<sc_bundles>
// kernel: kernel.3.cloned.1.call-start
scs
__scs_entry_jumppad:
0x0: {  	(pc) =	sbr.rel $0x88, $3  }
0x1: {  	(tag) =	ssettag $0x0;
	lr =	simm.s32 $0x1  }
0x2: {  	[smem:$0x3F9F] =	sst lr;
	_ =	strace $0xD0000000  }
0x3: {  	_ = 	snop  }
0x4: {  	_ = 	snop  }
0x5: {  	_ = 	snop  }
0x6: {  	_ = 	snop  }
0x7: {  	_ = 	snop  }
__scs_overlays_trampoline_lowered:
0x8: {  	[smem:$0x3FAE] =	sst s0  }
0x9: {  	[smem:$0x3FAF] =	sst s1  }
0xa: {  	[smem:$0x3FB0] =	sst s2  }
0xb: {  	[smem:$0x3FB1] =	sst s3  }
0xc: {  	[smem:$0x3FB2] =	sst s4  }
0xd: {  	[smem:$0x3FB3] =	sst s5  }
0xe: {  	[smem:$0x3FB4] =	sst s6  }
0xf: {  	[smem:$0x3FB5] =	sst s7  }
0x10: {  	[smem:$0x3FB6] =	sst s8  }
0x11: {  	[smem:$0x3FB7] =	sst s9;
	s0 =	simm.s32 @!p0 $0x0  }
0x12: {  	s1 =	sld [smem:$0x3F9D];
	s0 =	simm.s32 @p0 $0x1  }
0x13: {  	[smem:$0x3FB8] =	sst s0;
	s0 =	simm.s32 @!p1 $0x0  }
0x14: {  	s2 =	sld [smem:$0x3F9C];
	s0 =	simm.s32 @p1 $0x1  }
0x15: {  	[smem:$0x3FB9] =	sst s0;
	s0 =	simm.s32 @!p2 $0x0  }
0x16: {  	s3 =	sld [smem:$0x3FDB];
	s0 =	simm.s32 @p2 $0x1  }
0x17: {  	s4 =	simm.s32 $0x1BF5;
	[smem:$0x3FBB] =	sst s0  }
0x18: {  	s0 =	sld [smem:$0x3F9E];
	_ =	swait.ge [sflag:s4], $0x0  }
0x19: {  	s7 =	sld [smem:$0x3F9F]  }
0x1a: {  	s8 =	sadd.s32 $0xFFFFE003, lr  }
0x1b: {  	s9 =	sadd.s32 $0xFFFFFEF7, lr;
	s5 =	simm.s32 $0xFFFFFFFF;
	p2 =	slt.u32 s8, $0xFFFFF086  }
0x1c: {  	p1 =	slt.u32 s9, $0xF7A;
	s5 =	simm.s32 @!p2 $0x0  }
0x1d: {  	s5 =	simm.s32 @p1 $0x1;
	p0 =	seq.s32 s7, s2  }
0x1e: {  	s7 =	smul.u32 @!p0 $0xF7A, s2;
	p2 =	seq.s32 @!p0 s5, $0x0  }
0x1f: {  	s9 =	smul.u32 $0xF7A, s1;
	s8 =	simm.s32 @!p0 $0x1BF5;
	p2 =	por !p2, p0  }
0x20: {  	[sflag:s8] =	ssyncset.s32 @!p0 $0xFFFFF086;
	s6 =	sadd.s32 @!p0 s3, s7;
	s7 =	simm.s32 @!p0 $0x108  }
0x21: {  	s3 =	sadd.s32 s3, s9;
	s6 =	sadd.s32 @!p0 $0x88, s6;
	s7 =	simm.s32 @p2 $0x1082  }
0x22: {  	[simem:s7], [sflag:s8] =	dma.local @!p0 [hbm:s6], $0xF7A  }
0x23: {  	s9 =	sor.u32 $0xD0000000, s2;
	s6 =	simm.s32 $0x108;
	_ =	swait.ge @!p0 [sflag:s8], $0x0  }
0x24: {  	s3 =	sadd.s32 $0x88, s3;
	s6 =	simm.s32 @!p1 $0x1082;
	[sflag:s4] =	ssyncset.s32 $0xFFFFF086  }
0x25: {  	[simem:s6], [sflag:s4] =	dma.local [hbm:s3], $0xF7A  }
0x26: {  	[smem:$0x3F9F] =	sst s1;
	(tag) =	ssettag s2;
	_ =	strace s9  }
0x27: {  	s1 =	sld [smem:$0x3FAF]  }
0x28: {  	s2 =	sld [smem:$0x3FB0]  }
0x29: {  	s4 =	sld [smem:$0x3FB2]  }
0x2a: {  	p0 =	seq.s32 s5, $0x0;
	s5 =	sld [smem:$0x3FB3]  }
0x2b: {  	s6 =	sld [smem:$0x3FB4]  }
0x2c: {  	s7 =	sld [smem:$0x3FB5]  }
0x2d: {  	s3 =	simm.s32 $0x108;
	s8 =	sld [smem:$0x3FB6]  }
0x2e: {  	s3 =	simm.s32 @!p0 $0x1082;
	s9 =	sld [smem:$0x3FB7]  }
0x2f: {  	lr =	sadd.s32 s0, s3;
	s0 =	sld [smem:$0x3FAE]  }
0x30: {  	s3 =	sld [smem:$0x3FB1]  }
0x31: {  	[smem:$0x3FBA] =	sst s10  }
0x32: {  	s10 =	sld [smem:$0x3FB8];
	_ =	sdelay $0x3  }
0x33: {  	p0 =	seq.s32 s10, $0x1;
	s10 =	sld [smem:$0x3FBA];
	_ =	sdelay $0x3  }
0x34: {  	[smem:$0x3FBA] =	sst s10  }
0x35: {  	s10 =	sld [smem:$0x3FB9];
	_ =	sdelay $0x3  }
0x36: {  	p1 =	seq.s32 s10, $0x1;
	s10 =	sld [smem:$0x3FBA];
	_ =	sdelay $0x3  }
0x37: {  	[smem:$0x3FBA] =	sst s10  }
0x38: {  	s10 =	sld [smem:$0x3FBB]  }
0x39: {  	_ = 	snop;
	(pc) =	sbr.ind lr, $3  }
0x3a: {  	_ = 	snop  }
0x3b: {  	_ = 	snop  }
0x3c: {  	p2 =	seq.s32 s10, $0x1;
	s10 =	sld [smem:$0x3FBA]  }
0x3d: {  	_ =	shalt  }
0x3e: {  	_ =	shalt  }
0x3f: {  	_ =	shalt  }
0x40: {  	_ =	shalt  }
0x41: {  	_ =	shalt  }
0x42: {  	_ =	shalt  }
0x43: {  	_ =	shalt  }
0x44: {  	_ =	shalt  }
0x45: {  	_ =	shalt  }
0x46: {  	_ =	shalt  }
0x47: {  	_ =	shalt  }
0x48: {  	_ =	shalt  }
0x49: {  	_ =	shalt  }
0x4a: {  	_ =	shalt  }
0x4b: {  	_ =	shalt  }
0x4c: {  	_ =	shalt  }
0x4d: {  	_ =	shalt  }
0x4e: {  	_ =	shalt  }
0x4f: {  	_ =	shalt  }
0x50: {  	_ =	shalt  }
0x51: {  	_ =	shalt  }
0x52: {  	_ =	shalt  }
0x53: {  	_ =	shalt  }
0x54: {  	_ =	shalt  }
0x55: {  	_ =	shalt  }
0x56: {  	_ =	shalt  }
0x57: {  	_ =	shalt  }
0x58: {  	_ =	shalt  }
0x59: {  	_ =	shalt  }
0x5a: {  	_ =	shalt  }
0x5b: {  	_ =	shalt  }
0x5c: {  	_ =	shalt  }
0x5d: {  	_ =	shalt  }
0x5e: {  	_ =	shalt  }
0x5f: {  	_ =	shalt  }
0x60: {  	_ =	shalt  }
0x61: {  	_ =	shalt  }
0x62: {  	_ =	shalt  }
0x63: {  	_ =	shalt  }
0x64: {  	_ =	shalt  }
0x65: {  	_ =	shalt  }
0x66: {  	_ =	shalt  }
0x67: {  	_ =	shalt  }
0x68: {  	_ =	shalt  }
0x69: {  	_ =	shalt  }
0x6a: {  	_ =	shalt  }
0x6b: {  	_ =	shalt  }
0x6c: {  	_ =	shalt  }
0x6d: {  	_ =	shalt  }
0x6e: {  	_ =	shalt  }
0x6f: {  	_ =	shalt  }
0x70: {  	_ =	shalt  }
0x71: {  	_ =	shalt  }
0x72: {  	_ =	shalt  }
0x73: {  	_ =	shalt  }
0x74: {  	_ =	shalt  }
0x75: {  	_ =	shalt  }
0x76: {  	_ =	shalt  }
0x77: {  	_ =	shalt  }
0x78: {  	_ =	shalt  }
0x79: {  	_ =	shalt  }
0x7a: {  	_ =	shalt  }
0x7b: {  	_ =	shalt  }
0x7c: {  	_ =	shalt  }
0x7d: {  	_ =	shalt  }
0x7e: {  	_ =	shalt  }
0x7f: {  	_ =	shalt  }
0x80: {  	_ =	shalt  }
0x81: {  	_ =	shalt  }
0x82: {  	_ =	shalt  }
0x83: {  	_ =	shalt  }
0x84: {  	_ =	shalt  }
0x85: {  	_ =	shalt  }
0x86: {  	_ =	shalt  }
0x87: {  	_ =	shalt  }
.Lfunc_end0:
.L_simem_size_0:
called_computation_lowered:
.L_overlay_start_0:
0x88: {  	s2 =	sld [smem:$0x3FD9]  }
0x89: {  	s3 =	sld [smem:$0x3FFE];
	_ =	sdelay $0x1  }
0x8a: {  	s1 =	srdreg.scid  }
0x8b: {  	s0 =	sand.u32 $0x1, s1  }
0x8c: {  	s15 =	sshll.u32 s0, $0xA;
	s2 =	sadd.s32 s3, s2  }
0x8d: {  	s2 =	sadd.s32 s2, s15  }
0x8e: {  	[smem:$0x3FC6] =	sst s2  }
0x8f: {  	_ = 	snop  }
0x90: {  	s2 =	sld [smem:$0x3FD0];
	_ =	sdelay $0x1  }
0x91: {  	s16 =	sld [smem:$0x3FC9]  }
0x92: {  	s5 =	simm.s32 $0xA;
	s6 =	simm.s32 $0x10;
	s4 =	sld [smem:$0x3FC8]  }
0x93: {  	[smem:s6], [sflag:s5] =	dma.local [hbm:s2], $0x1  }
0x94: {  	_ =	swait.eq [sflag:s5], $0x1  }
0x95: {  	[sflag:s5] =	ssyncset.done $0x0  }
0x96: {  	[sflag:s5] =	ssyncadd.s32 $0xFFFFFFFF  }
0x97: {  	s17 =	sld [smem:$0x10];
	(tm) =	ssettm $0x1  }
0x98: {  	s18 =	sld [smem:$0x3FFB];
	_ =	sdelay $0x3  }
0x99: {  	_ =	strace s18  }
0x9a: {  	s5 =	sld [smem:$0x3FFC];
	_ =	sdelay $0x3  }
0x9b: {  	_ =	strace s5  }
0x9c: {  	s5 =	sld [smem:$0x3FFD];
	_ =	sdelay $0x3  }
0x9d: {  	_ =	strace s5  }
0x9e: {  	_ =	strace $0x8FFFFFFF  }
0x9f: {  	s19 =	sld [smem:$0x3FDB];
	_ =	sdelay $0x1  }
0xa0: {  	s20 =	simm.s32 $_scs_section_size  }
0xa1: {  	s7 =	simm.s32 $_size__tile_overlayer_lowered;
	s8 =	simm.s32 $_tile_overlayer_lowered  }
0xa2: {  	s23 =	simm.s32 $0x1BFF;
	s22 =	sshll.u32 s8, $0x1;
	s5 =	sadd.s32 s20, s19  }
0xa3: {  	s9 =	simm.s32 $0x0;
	s21 =	sshll.u32 s7, $0x1;
	s7 =	sadd.s32 s22, s5  }
0xa4: {  	[timem:s9], [sflag:s23] =	dma.local [hbm:s7], s21  }
0xa5: {  	_ =	swait.ge [sflag:s23], s21  }
0xa6: {  	s6 =	ssub.s32 $0x0, s21;
	[sflag:s23] =	ssyncset.done $0x0  }
0xa7: {  	[sflag:s23] =	ssyncadd.s32 s6;
	_ =	sdelay $0x1  }
0xa8: {  	s24 =	simm.s32 $0x1B8B  }
0xa9: {  	_ =	swait.ge [sflag:s24], $0x1  }
0xaa: {  	[sflag:s24] =	ssyncset.done $0x0  }
0xab: {  	s25 =	simm.s32 $0x1B8E;
	[sflag:s24] =	ssyncadd.s32 $0xFFFFFFFF  }
0xac: {  	s26 =	simm.s32 $execute0_lowered;
	[smem:$0x3FD2] =	sst s25  }
0xad: {  	s6 =	sshll.u32 s26, $0x1;
	_ =	strace $0x80000046;
	[dreg:$0x1] =	wrdreg $0xFFFFFFFF  }
0xae: {  	s28 =	simm.s32 $_size_execute0_lowered;
	s5 =	sadd.s32 s5, s6;
	[dreg:$0x0] =	wrdreg $0x0  }
0xaf: {  	s6 =	sshll.u32 s28, $0x1;
	[dreg:$0x2] =	wrdreg s5  }
0xb0: {  	[dreg:$0x3] =	wrdreg s6  }
0xb1: {  	[dreg:$0x4] =	wrdreg $0xC0  }
0xb2: {  	_ =	task [dreg:s9], $0x5FFFF  }
0xb3: {  	[dreg:$0x1] =	wrdreg $0xFFFFFFFF  }
0xb4: {  	[dreg:$0x0] =	wrdreg $0x60  }
0xb5: {  	[dreg:$0x2] =	wrdreg s16  }
0xb6: {  	[dreg:$0x3] =	wrdreg s4  }
0xb7: {  	[dreg:$0x4] =	wrdreg s17  }
0xb8: {  	[dreg:$0x5] =	wrdreg $0x9  }
0xb9: {  	_ =	task.clear_ibuf [dreg:s9], $0x6FFFF;
	_ =	strace $0x90000046  }
0xba: {  	s29 =	simm.s32 $0x9;
	_ =	strace $0x80000048  }
0xbb: {  	_ =	swait.ge [sflag:s29], $0x1  }
0xbc: {  	[sflag:s29] =	ssyncadd.s32 $0xFFFFFFFF  }
0xbd: {  	_ =	strace $0x90000048  }
0xbe: {  	_ =	sfence  }
0xbf: {  	s30 =	sld [smem:$0x0];
	_ =	sdelay $0x2  }
0xc0: {  	s31 =	sshll.u32 s1, $0xD;
	s1 =	sshrl.u32 s1, $0x2  }
0xc1: {  	s3 =	sand.u32 $0x4000, s31;
	s1 =	sadd.s32 s1, s30  }
0xc2: {  	s0 =	sor.u32 s3, s0;
	s1 =	sshll.u32 s1, $0x11  }
0xc3: {  	s0 =	sor.u32 s1, s0  }
0xc4: {  	s0 =	sadd.s32 $0x8F2B, s0  }
0xc5: {  	[sflag:s0] =	ssyncadd.remote.s32 $0x1  }
0xc6: {  	_ =	sfence.sel $0xFFFF  }
0xc7: {  	[dreg:$0x0] =	wrdreg $0xFFFFFFFF;
	(pc) =	sbr.abs _section_cstart, $3  }
0xc8: {  	[dreg:$0x1] =	wrdreg $0xFFFFFFFF  }
0xc9: {  	_ =	task.clear_ibuf [dreg:s9], $0x2FFFF;
	_ =	strace $0x9FFFFFFF  }
0xca: {  	(tm) =	ssettm $0x7FFFFFFF  }
0xcb: {  	_ =	shalt  }
tec
execute0_lowered:
.L_overlay_start_1:
0x0: {  	(tag) =	ssettag $0x1  }
0x1: {  	s0 =	rddreg [dreg:$0x0];
	s1 =	srdreg.scid  }
0x2: {  	s3 =	rddreg [dreg:$0x2];
	s2 =	stileid.u32;
	s6 =	simm.s32 $0x0  }
0x3: {  	s19 =	simm.s32 $0x100;
	s20 =	simm.s32 $0x400;
	s21 =	simm.s32 $0x1000  }
0x4: {  	s28 =	simm.s32 $0x2;
	s29 =	simm.s32 $0xB000;
	s30 =	simm.s32 $0x3  }
0x5: {  	s31 =	simm.s32 $0xD000;
	s8 =	simm.s32 $0x8;
	s9 =	simm.s32 $0x0  }
0x6: {  	s1 =	sand.u32 $0x1, s1;
	s2 =	sshll.u32 s2, $0x12;
	[smem:$0x7FF] =	sst s6  }
0x7: {  	s10 =	sadd.s32 $0x1000, s0;
	s11 =	sadd.s32 $0x1020, s0;
	s12 =	sadd.s32 $0x20, s3  }
0x8: {  	s13 =	sadd.s32 $0x1040, s0;
	s14 =	sadd.s32 $0x40, s3;
	s4 =	sshll.u32 s1, $0x11  }
0x9: {  	s15 =	sadd.s32 $0x1060, s0;
	s16 =	sadd.s32 $0x60, s3;
	s5 =	sor.u32 s4, s2  }
0xa: {  	s1 =	ssub.s32 $0x2, s1;
	_ =	strace $0x80000047;
	s4 =	sadd.s32 s0, s5  }
0xb: {  	s22 =	sshrl.u32 s1, $0x1;
	s23 =	sadd.s32 $0x20, s4;
	[dreg:$0x4] =	wrdreg s4  }
0xc: {  	s1 =	ssub.s32 s1, s22;
	s24 =	sadd.s32 $0x40, s4;
	[dreg:$0x5] =	wrdreg s23  }
0xd: {  	s22 =	simm.s32 $0x3000;
	s25 =	sadd.s32 $0x60, s4;
	[dreg:$0x6] =	wrdreg s24  }
0xe: {  	s0 =	simm.s32 $0x4;
	s26 =	smax.u32 s1, $0x1;
	[dreg:$0x7] =	wrdreg s25  }
0xf: {  	s1 =	simm.s32 $0xF000;
	[dreg:$0x8] =	wrdreg s26;
	s23 =	simm.s32 $0x5000  }
0x10: {  	s24 =	simm.s32 $0x7000;
	s25 =	simm.s32 $0x1;
	s26 =	simm.s32 $0x9000  }
.LBB2_1:
0x11: {  	s2 =	rddreg [dreg:$0x1];
	s4 =	simm.s32 $0x0  }
0x12: {  	[tilespmem:s4], [sflag:$0x9] =	stream.linear.gather [hbm4b:s2+s4], $0x1000, $0x38;
	[tilespmem:$0x11000] =	vst v63  }
0x13: {  	s4 =	simm.s32 $0x9  }
0x14: {  	_ =	swait.ge [sflag:s4], $0x1000  }
0x15: {  	[sflag:s4] =	ssyncset.done $0x0  }
0x16: {  	s6 =	rddreg [dreg:$0x4];
	[sflag:s4] =	ssyncadd.s32 $0xFFFFF000  }
0x17: {  	[tilespmem:s21], [sflag:$0x1] =	stream.strided.gather [hbm4b:s6+s19], $0x2000, s20, s19, $0x38;
	[tilespmem:$0x11000] =	vst v63  }
0x18: {  	s7 =	rddreg [dreg:$0x5]  }
0x19: {  	[tilespmem:s22], [sflag:$0x2] =	stream.strided.gather [hbm4b:s7+s19], $0x2000, s20, s19, $0x38;
	[tilespmem:$0x11000] =	vst v63  }
0x1a: {  	s17 =	rddreg [dreg:$0x6]  }
0x1b: {  	[tilespmem:s23], [sflag:$0x3] =	stream.strided.gather [hbm4b:s17+s19], $0x2000, s20, s19, $0x38;
	[tilespmem:$0x11000] =	vst v63  }
0x1c: {  	s18 =	rddreg [dreg:$0x7];
	s17 =	simm.s32 $0x0  }
0x1d: {  	[tilespmem:s24], [sflag:$0x4] =	stream.strided.gather [hbm4b:s18+s19], $0x2000, s20, s19, $0x38;
	[tilespmem:$0x11000] =	vst v63  }
.LBB2_2:
0x1e: {  	_ =	swait.ge [sflag:s25], $0x2000  }
0x1f: {  	p0 =	seq.s32 s17, $0x0;
	[sflag:s25] =	ssyncset.done $0x0  }
0x20: {  	s2 =	simm.s32 @!p0 $0x5;
	[sflag:s25] =	ssyncadd.s32 $0xFFFFE000  }
0x21: {  	_ =	swait.ge @!p0 [sflag:s2], $0x2000  }
0x22: {  	[sflag:s2] =	ssyncset.done @!p0 $0x0  }
0x23: {  	s18 =	simm.s32 $0x40;
	[sflag:s2] =	ssyncadd.s32 @!p0 $0xFFFFE000  }
0x24: {  	v0 =	vld [tilespmem:s18+$0xFFFFFFC0]  }
0x25: {  	v1 =	vld [tilespmem:s18+$0x30];
	_ =	sdelay $0x3  }
0x26: {  	v4 =	vld [tilespmem:s18+$0x20];
	v2 =	vshll.u32 v0, $0x1  }
0x27: {  	v5 =	vld [tilespmem:s18+$0xFFFFFFE0];
	v3 =	vshll.u32 v1, $0x1;
	v0 =	vand.u32 $0x7F, v0;
	v2 =	vand.u32 $0xFFFFFF00, v2  }
0x28: {  	v1 =	vand.u32 $0x7F, v1;
	v3 =	vand.u32 $0xFFFFFF00, v3;
	v0 =	vor.u32 v0, v2  }
0x29: {  	v6 =	vld [tilespmem:s18+$0x0];
	v1 =	vor.u32 v1, v3  }
0x2a: {  	v3 =	vld [tilespmem:s18+$0x10]  }
0x2b: {  	v7 =	vshll.u32 v4, $0x1;
	v2 =	vld [tilespmem:s18+$0xFFFFFFF0]  }
0x2c: {  	v8 =	vld [tilespmem:s18+$0xFFFFFFD0];
	v4 =	vand.u32 $0x7F, v4;
	v14 =	vshll.u32 v5, $0x1;
	v7 =	vand.u32 $0xFFFFFF00, v7  }
0x2d: {  	v5 =	vand.u32 $0x7F, v5;
	v14 =	vand.u32 $0xFFFFFF00, v14;
	v4 =	vor.u32 v4, v7;
	v9 =	vld.idx.msk [tilespmem:v0+s21+$0x0], $0xffff  }
0x2e: {  	s18 =	simm.s32 $0xC0;
	v5 =	vor.u32 v5, v14;
	v10 =	vor.u32 $0x80, v0;
	v7 =	vld.idx.msk [tilespmem:v1+s21+$0x0], $0xffff  }
0x2f: {  	v12 =	vor.u32 $0x80, v1;
	v15 =	vld [tilespmem:s18+$0x30];
	v11 =	vshll.u32 v3, $0x1;
	v3 =	vand.u32 $0x7F, v3  }
0x30: {  	v16 =	vld [tilespmem:s18+$0xFFFFFFC0];
	v13 =	vand.u32 $0x7F, v2;
	v2 =	vshll.u32 v2, $0x1;
	v11 =	vand.u32 $0xFFFFFF00, v11  }
0x31: {  	s6 =	simm.s32 $0x9080;
	v18 =	vld [tilespmem:s18+$0x20];
	v2 =	vand.u32 $0xFFFFFF00, v2;
	v3 =	vor.u32 v3, v11;
	v11 =	vshll.u32 v6, $0x1  }
0x32: {  	v6 =	vand.u32 $0x7F, v6;
	v13 =	vor.u32 v13, v2;
	v2 =	vand.u32 $0xFFFFFF00, v11;
	[tilespmem:s6+$0xFFFFFF80] =	vst v9;
	v9 =	vld.idx.msk [tilespmem:v4+s21+$0x0], $0xffff  }
0x33: {  	v6 =	vor.u32 v6, v2;
	[tilespmem:s6+$0xFFFFFFF0] =	vst v7;
	v7 =	vshll.u32 v8, $0x1;
	v10 =	vld.idx.msk [tilespmem:v10+s21+$0x0], $0xffff  }
0x34: {  	v4 =	vor.u32 $0x80, v4;
	v8 =	vand.u32 $0x7F, v8;
	v11 =	vld.idx.msk [tilespmem:v12+s21+$0x0], $0xffff;
	v7 =	vand.u32 $0xFFFFFF00, v7  }
0x35: {  	v12 =	vld.idx.msk [tilespmem:v5+s21+$0x0], $0xffff;
	v7 =	vor.u32 v8, v7  }
0x36: {  	v8 =	vld.idx.msk [tilespmem:v3+s21+$0x0], $0xffff  }
0x37: {  	v14 =	vld.idx.msk [tilespmem:v13+s21+$0x0], $0xffff;
	v3 =	vor.u32 $0x80, v3  }
0x38: {  	v5 =	vor.u32 $0x80, v5;
	v17 =	vld.idx.msk [tilespmem:v6+s21+$0x0], $0xffff;
	[tilespmem:s6+$0xFFFFFFE0] =	vst v9  }
0x39: {  	v9 =	vor.u32 $0x80, v13;
	v13 =	vld.idx.msk [tilespmem:v4+s21+$0x0], $0xffff  }
0x3a: {  	v6 =	vor.u32 $0x80, v6;
	[tilespmem:s6+$0x0] =	vst v10;
	v4 =	vld.idx.msk [tilespmem:v7+s21+$0x0], $0xffff  }
0x3b: {  	v0 =	vld [tilespmem:s18+$0xFFFFFFE0];
	[tilespmem:s6+$0xFFFFFFD0] =	vst v8  }
0x3c: {  	[tilespmem:s6+$0xFFFFFFA0] =	vst v12;
	v19 =	vld.idx.msk [tilespmem:v3+s21+$0x0], $0xffff  }
0x3d: {  	[tilespmem:s6+$0x70] =	vst v11;
	v10 =	vshll.u32 v16, $0x1;
	v3 =	vld.idx.msk [tilespmem:v5+s21+$0x0], $0xffff;
	v5 =	vshll.u32 v15, $0x1  }
0x3e: {  	v2 =	vld [tilespmem:s18+$0x10];
	v11 =	vand.u32 $0x7F, v15;
	v7 =	vor.u32 $0x80, v7;
	[tilespmem:s6+$0xFFFFFFC0] =	vst v17;
	v5 =	vand.u32 $0xFFFFFF00, v5  }
0x3f: {  	v10 =	vand.u32 $0xFFFFFF00, v10;
	[tilespmem:s6+$0xFFFFFF90] =	vst v4;
	v4 =	vld.idx.msk [tilespmem:v6+s21+$0x0], $0xffff;
	v6 =	vor.u32 v11, v5;
	v11 =	vand.u32 $0x7F, v16  }
0x40: {  	[tilespmem:s6+$0xFFFFFFB0] =	vst v14;
	v8 =	vld [tilespmem:s18+$0x0];
	v10 =	vor.u32 v11, v10  }
0x41: {  	v9 =	vld.idx.msk [tilespmem:v9+s21+$0x0], $0xffff  }
0x42: {  	v1 =	vld [tilespmem:s18+$0xFFFFFFF0]  }
0x43: {  	v12 =	vshll.u32 v18, $0x1;
	[tilespmem:s6+$0x60] =	vst v13;
	v5 =	vld.idx.msk [tilespmem:v7+s21+$0x0], $0xffff  }
0x44: {  	s4 =	simm.s32 $0x8;
	s2 =	simm.s32 $0x9080;
	v11 =	vand.u32 $0xFFFFFF00, v12;
	v7 =	vld [tilespmem:s18+$0xFFFFFFD0];
	v12 =	vand.u32 $0x7F, v18;
	[tilespmem:s6+$0x50] =	vst v19  }
.LBB2_3:
0x45: {  	s4 =	sadd.s32 $0x8, s4;
	v13 =	vld.idx.msk [tilespmem:v10+s21+$0x0], $0xffff;
	v10 =	vor.u32 $0x80, v10;
	v14 =	vshll.u32 v2, $0x1;
	v15 =	vor.u32 $0x80, v6;
	s6 =	sadd.s32 $0x100, s6  }
0x46: {  	v2 =	vand.u32 $0x7F, v2;
	v11 =	vor.u32 v12, v11;
	s18 =	sadd.s32 $0x80, s18;
	p1 =	slt.u32 s4, $0xF8;
	v16 =	vand.u32 $0x7F, v8;
	v6 =	vld.idx.msk [tilespmem:v6+s21+$0x0], $0xffff;
	[tilespmem:s2+$0x30] =	vst v9  }
0x47: {  	v12 =	vand.u32 $0x7F, v1;
	v17 =	vshll.u32 v1, $0x1;
	v18 =	vor.u32 $0x80, v11;
	v9 =	vld [tilespmem:s18+$0xFFFFFFE0];
	[tilespmem:s2+$0x20] =	vst v3  }
0x48: {  	v17 =	vand.u32 $0xFFFFFF00, v17;
	v8 =	vshll.u32 v8, $0x1;
	v3 =	vshll.u32 v0, $0x1;
	v1 =	vld [tilespmem:s18+$0xFFFFFFF0];
	[tilespmem:s2+$0x40] =	vst v4  }
0x49: {  	v14 =	vand.u32 $0xFFFFFF00, v14;
	v3 =	vand.u32 $0xFFFFFF00, v3;
	v4 =	vld [tilespmem:s18+$0x30];
	v19 =	vand.u32 $0x7F, v7;
	[tilespmem:s2+$0x10] =	vst v5;
	s2 =	smov.u32 s6  }
0x4a: {  	v20 =	vand.u32 $0x7F, v0;
	v12 =	vor.u32 v12, v17;
	v14 =	vor.u32 v2, v14;
	v5 =	vld [tilespmem:s18+$0xFFFFFFC0]  }
0x4b: {  	v2 =	vshll.u32 v7, $0x1;
	v3 =	vor.u32 v20, v3;
	[tilespmem:s6+$0xFFFFFF80] =	vst v13;
	v13 =	vand.u32 $0xFFFFFF00, v8;
	v7 =	vld.idx.msk [tilespmem:v11+s21+$0x0], $0xffff  }
0x4c: {  	v2 =	vand.u32 $0xFFFFFF00, v2;
	v8 =	vld.idx.msk [tilespmem:v10+s21+$0x0], $0xffff;
	v10 =	vor.u32 v16, v13;
	[tilespmem:s6+$0xFFFFFFF0] =	vst v6;
	v0 =	vmov v9  }
0x4d: {  	v9 =	vor.u32 v19, v2;
	v11 =	vld.idx.msk [tilespmem:v15+s21+$0x0], $0xffff  }
0x4e: {  	v2 =	vld [tilespmem:s18+$0x10];
	v6 =	vand.u32 $0x7F, v4;
	v4 =	vshll.u32 v4, $0x1  }
0x4f: {  	v13 =	vshll.u32 v5, $0x1;
	v4 =	vand.u32 $0xFFFFFF00, v4;
	v15 =	vld.idx.msk [tilespmem:v14+s21+$0x0], $0xffff  }
0x50: {  	v13 =	vand.u32 $0xFFFFFF00, v13;
	v6 =	vor.u32 v6, v4;
	v4 =	vld.idx.msk [tilespmem:v3+s21+$0x0], $0xffff  }
0x51: {  	v14 =	vor.u32 $0x80, v14;
	v16 =	vld.idx.msk [tilespmem:v12+s21+$0x0], $0xffff;
	[tilespmem:s6+$0xFFFFFFE0] =	vst v7  }
0x52: {  	v3 =	vor.u32 $0x80, v3;
	[tilespmem:s6+$0x0] =	vst v8;
	v7 =	vld.idx.msk [tilespmem:v10+s21+$0x0], $0xffff  }
0x53: {  	v8 =	vor.u32 $0x80, v12;
	v12 =	vld.idx.msk [tilespmem:v18+s21+$0x0], $0xffff;
	[tilespmem:s6+$0x70] =	vst v11  }
0x54: {  	v11 =	vld.idx.msk [tilespmem:v9+s21+$0x0], $0xffff  }
0x55: {  	v19 =	vor.u32 $0x80, v10;
	v18 =	vor.u32 $0x80, v9;
	v17 =	vld [tilespmem:s18+$0x20];
	[tilespmem:s6+$0xFFFFFFD0] =	vst v15  }
0x56: {  	[tilespmem:s6+$0xFFFFFFA0] =	vst v4;
	v14 =	vld.idx.msk [tilespmem:v14+s21+$0x0], $0xffff  }
0x57: {  	v4 =	vand.u32 $0x7F, v5;
	v3 =	vld.idx.msk [tilespmem:v3+s21+$0x0], $0xffff;
	[tilespmem:s6+$0xFFFFFFB0] =	vst v16  }
.Ltmp0:
0x58: {  	v10 =	vor.u32 v4, v13;
	v9 =	vld.idx.msk [tilespmem:v8+s21+$0x0], $0xffff;
	[tilespmem:s6+$0xFFFFFFC0] =	vst v7;
	(pc) =	sbr.rel @p1 .LBB2_3-.Ltmp0, $4  }
0x59: {  	v8 =	vld [tilespmem:s18+$0x0];
	[tilespmem:s6+$0x60] =	vst v12  }
0x5a: {  	v5 =	vshll.u32 v17, $0x1;
	[tilespmem:s6+$0xFFFFFF90] =	vst v11;
	v4 =	vld.idx.msk [tilespmem:v19+s21+$0x0], $0xffff  }
0x5b: {  	v11 =	vand.u32 $0xFFFFFF00, v5;
	v5 =	vld.idx.msk [tilespmem:v18+s21+$0x0], $0xffff  }
0x5c: {  	v12 =	vand.u32 $0x7F, v17;
	v7 =	vld [tilespmem:s18+$0xFFFFFFD0];
	[tilespmem:s6+$0x50] =	vst v14  }
0x5d: {  	_ =	sdelay $0x2  }
0x5e: {  	v13 =	vor.u32 $0x80, v10  }
0x5f: {  	v10 =	vld.idx.msk [tilespmem:v10+s21+$0x0], $0xffff;
	v14 =	vshll.u32 v2, $0x1;
	v15 =	vor.u32 $0x80, v6;
	v11 =	vor.u32 v12, v11  }
0x60: {  	v2 =	vand.u32 $0x7F, v2;
	v6 =	vld.idx.msk [tilespmem:v6+s21+$0x0], $0xffff;
	v16 =	vand.u32 $0x7F, v1;
	v1 =	vshll.u32 v1, $0x1  }
0x61: {  	v17 =	vshll.u32 v0, $0x1;
	v0 =	vand.u32 $0x7F, v0;
	v14 =	vand.u32 $0xFFFFFF00, v14  }
0x62: {  	v12 =	vand.u32 $0x7F, v8;
	v1 =	vand.u32 $0xFFFFFF00, v1;
	v2 =	vor.u32 v2, v14  }
0x63: {  	s4 =	sadd.s32 $0x100, s6;
	[tilespmem:s2+$0x30] =	vst v9;
	v8 =	vshll.u32 v8, $0x1;
	v9 =	vand.u32 $0xFFFFFF00, v17;
	v1 =	vor.u32 v16, v1  }
0x64: {  	v0 =	vor.u32 v0, v9;
	v8 =	vand.u32 $0xFFFFFF00, v8;
	[tilespmem:s4+$0xFFFFFF80] =	vst v10;
	v10 =	vshll.u32 v7, $0x1;
	v9 =	vld.idx.msk [tilespmem:v11+s21+$0x0], $0xffff  }
0x65: {  	v8 =	vor.u32 v12, v8;
	v7 =	vand.u32 $0x7F, v7;
	[tilespmem:s4+$0xFFFFFFF0] =	vst v6;
	v13 =	vld.idx.msk [tilespmem:v13+s21+$0x0], $0xffff;
	v10 =	vand.u32 $0xFFFFFF00, v10  }
0x66: {  	[tilespmem:s2+$0x20] =	vst v3;
	v6 =	vld.idx.msk [tilespmem:v15+s21+$0x0], $0xffff;
	v3 =	vor.u32 v7, v10  }
0x67: {  	[tilespmem:s2+$0x40] =	vst v4;
	v7 =	vor.u32 $0x80, v11;
	v4 =	vld.idx.msk [tilespmem:v2+s21+$0x0], $0xffff  }
0x68: {  	[tilespmem:s2+$0x10] =	vst v5;
	v5 =	vld.idx.msk [tilespmem:v1+s21+$0x0], $0xffff;
	v2 =	vor.u32 $0x80, v2  }
0x69: {  	v10 =	vld.idx.msk [tilespmem:v0+s21+$0x0], $0xffff;
	v1 =	vor.u32 $0x80, v1;
	[tilespmem:s4+$0xFFFFFFE0] =	vst v9  }
0x6a: {  	v0 =	vor.u32 $0x80, v0;
	v9 =	vld.idx.msk [tilespmem:v8+s21+$0x0], $0xffff;
	[tilespmem:s4+$0x0] =	vst v13  }
0x6b: {  	v8 =	vor.u32 $0x80, v8;
	[tilespmem:s4+$0x70] =	vst v6;
	v6 =	vld.idx.msk [tilespmem:v3+s21+$0x0], $0xffff  }
0x6c: {  	v7 =	vld.idx.msk [tilespmem:v7+s21+$0x0], $0xffff;
	v3 =	vor.u32 $0x80, v3;
	[tilespmem:s4+$0xFFFFFFD0] =	vst v4  }
0x6d: {  	[tilespmem:s4+$0xFFFFFFB0] =	vst v5;
	v2 =	vld.idx.msk [tilespmem:v2+s21+$0x0], $0xffff  }
0x6e: {  	[tilespmem:s4+$0xFFFFFFA0] =	vst v10;
	v1 =	vld.idx.msk [tilespmem:v1+s21+$0x0], $0xffff  }
0x6f: {  	v0 =	vld.idx.msk [tilespmem:v0+s21+$0x0], $0xffff;
	[tilespmem:s4+$0xFFFFFFC0] =	vst v9  }
0x70: {  	v4 =	vld.idx.msk [tilespmem:v8+s21+$0x0], $0xffff;
	[tilespmem:s4+$0xFFFFFF90] =	vst v6  }
0x71: {  	[tilespmem:s4+$0x60] =	vst v7;
	v3 =	vld.idx.msk [tilespmem:v3+s21+$0x0], $0xffff  }
0x72: {  	[tilespmem:s4+$0x50] =	vst v2  }
0x73: {  	[tilespmem:s4+$0x30] =	vst v1  }
0x74: {  	s6 =	sshll.u32 s17, $0xC;
	p1 =	seq.s32 s17, $0x1F;
	[tilespmem:s4+$0x20] =	vst v0  }
0x75: {  	s6 =	sor.u32 s5, s6;
	s7 =	simm.s32 @!p1 $0x400;
	[tilespmem:s4+$0x40] =	vst v4  }
0x76: {  	s18 =	simm.s32 @!p1 $0x1000;
	s2 =	sadd.s32 @!p1 s6, s10;
	[tilespmem:s4+$0x10] =	vst v3;
	s4 =	simm.s32 @!p1 $0x100  }
0x77: {  	[tilespmem:s18], [sflag:$0x1] =	stream.strided.gather @!p1 [hbm4b:s2+s4], $0x2000, s7, s4, $0x38;
	[tilespmem:$0x11000] =	vst v63  }
0x78: {  	s7 =	sadd.s32 s3, s6  }
0x79: {  	[hbm4b:s7+s19] =	stream.strided.scatter [tilespmem:s26], [sflag:$0x5], $0x2000, s20, s19, $0x38;
	[tilespmem:$0x11000] =	vst v63  }
0x7a: {  	_ =	swait.ge [sflag:s28], $0x2000  }
0x7b: {  	[sflag:s28] =	ssyncset.done $0x0  }
0x7c: {  	s2 =	simm.s32 @!p0 $0x6;
	[sflag:s28] =	ssyncadd.s32 $0xFFFFE000  }
0x7d: {  	_ =	swait.ge @!p0 [sflag:s2], $0x2000  }
0x7e: {  	[sflag:s2] =	ssyncset.done @!p0 $0x0  }
0x7f: {  	s18 =	simm.s32 $0x40;
	[sflag:s2] =	ssyncadd.s32 @!p0 $0xFFFFE000  }
0x80: {  	v0 =	vld [tilespmem:s18+$0xFFFFFFC0]  }
0x81: {  	v1 =	vld [tilespmem:s18+$0x30];
	_ =	sdelay $0x3  }
0x82: {  	v4 =	vld [tilespmem:s18+$0x20];
	v2 =	vshll.u32 v0, $0x1  }
0x83: {  	v5 =	vld [tilespmem:s18+$0xFFFFFFE0];
	v3 =	vshll.u32 v1, $0x1;
	v0 =	vand.u32 $0x7F, v0;
	v2 =	vand.u32 $0xFFFFFF00, v2  }
0x84: {  	v1 =	vand.u32 $0x7F, v1;
	v3 =	vand.u32 $0xFFFFFF00, v3;
	v0 =	vor.u32 v0, v2  }
0x85: {  	v6 =	vld [tilespmem:s18+$0x0];
	v1 =	vor.u32 v1, v3  }
0x86: {  	v3 =	vld [tilespmem:s18+$0x10]  }
0x87: {  	v7 =	vshll.u32 v4, $0x1;
	v2 =	vld [tilespmem:s18+$0xFFFFFFF0]  }
0x88: {  	v8 =	vld [tilespmem:s18+$0xFFFFFFD0];
	v4 =	vand.u32 $0x7F, v4;
	v14 =	vshll.u32 v5, $0x1;
	v7 =	vand.u32 $0xFFFFFF00, v7  }
0x89: {  	v5 =	vand.u32 $0x7F, v5;
	v14 =	vand.u32 $0xFFFFFF00, v14;
	v4 =	vor.u32 v4, v7;
	v9 =	vld.idx.msk [tilespmem:v0+s22+$0x0], $0xffff  }
0x8a: {  	s2 =	simm.s32 $0xC0;
	v5 =	vor.u32 v5, v14;
	v10 =	vor.u32 $0x80, v0;
	v7 =	vld.idx.msk [tilespmem:v1+s22+$0x0], $0xffff  }
0x8b: {  	v15 =	vld [tilespmem:s2+$0x30];
	v12 =	vor.u32 $0x80, v1;
	v11 =	vshll.u32 v3, $0x1;
	v3 =	vand.u32 $0x7F, v3  }
0x8c: {  	v62 =	vld [tilespmem:s2+$0xFFFFFFC0];
	v13 =	vand.u32 $0x7F, v2;
	v2 =	vshll.u32 v2, $0x1;
	v11 =	vand.u32 $0xFFFFFF00, v11  }
0x8d: {  	v18 =	vld [tilespmem:s2+$0x20];
	s18 =	simm.s32 $0xB080;
	v2 =	vand.u32 $0xFFFFFF00, v2;
	v3 =	vor.u32 v3, v11;
	v11 =	vshll.u32 v6, $0x1  }
0x8e: {  	v6 =	vand.u32 $0x7F, v6;
	v13 =	vor.u32 v13, v2;
	v2 =	vand.u32 $0xFFFFFF00, v11;
	[tilespmem:s18+$0xFFFFFF80] =	vst v9;
	v9 =	vld.idx.msk [tilespmem:v4+s22+$0x0], $0xffff  }
0x8f: {  	v6 =	vor.u32 v6, v2;
	[tilespmem:s18+$0xFFFFFFF0] =	vst v7;
	v7 =	vshll.u32 v8, $0x1;
	v10 =	vld.idx.msk [tilespmem:v10+s22+$0x0], $0xffff  }
0x90: {  	v4 =	vor.u32 $0x80, v4;
	v8 =	vand.u32 $0x7F, v8;
	v11 =	vld.idx.msk [tilespmem:v12+s22+$0x0], $0xffff;
	v7 =	vand.u32 $0xFFFFFF00, v7  }
0x91: {  	v12 =	vld.idx.msk [tilespmem:v5+s22+$0x0], $0xffff;
	v7 =	vor.u32 v8, v7  }
0x92: {  	v8 =	vld.idx.msk [tilespmem:v3+s22+$0x0], $0xffff  }
0x93: {  	v14 =	vld.idx.msk [tilespmem:v13+s22+$0x0], $0xffff;
	v3 =	vor.u32 $0x80, v3  }
0x94: {  	v5 =	vor.u32 $0x80, v5;
	v63 =	vld.idx.msk [tilespmem:v6+s22+$0x0], $0xffff;
	[tilespmem:s18+$0xFFFFFFE0] =	vst v9  }
0x95: {  	v9 =	vor.u32 $0x80, v13;
	v13 =	vld.idx.msk [tilespmem:v4+s22+$0x0], $0xffff  }
0x96: {  	v6 =	vor.u32 $0x80, v6;
	[tilespmem:s18+$0x0] =	vst v10;
	v4 =	vld.idx.msk [tilespmem:v7+s22+$0x0], $0xffff  }
0x97: {  	v0 =	vld [tilespmem:s2+$0xFFFFFFE0];
	[tilespmem:s18+$0xFFFFFFD0] =	vst v8  }
0x98: {  	[tilespmem:s18+$0xFFFFFFA0] =	vst v12;
	v19 =	vld.idx.msk [tilespmem:v3+s22+$0x0], $0xffff  }
0x99: {  	[tilespmem:s18+$0x70] =	vst v11;
	v10 =	vshll.u32 v62, $0x1;
	v3 =	vld.idx.msk [tilespmem:v5+s22+$0x0], $0xffff;
	v5 =	vshll.u32 v15, $0x1  }
0x9a: {  	v2 =	vld [tilespmem:s2+$0x10];
	v11 =	vand.u32 $0x7F, v15;
	v7 =	vor.u32 $0x80, v7;
	[tilespmem:s18+$0xFFFFFFC0] =	vst v63;
	v5 =	vand.u32 $0xFFFFFF00, v5  }
0x9b: {  	v10 =	vand.u32 $0xFFFFFF00, v10;
	[tilespmem:s18+$0xFFFFFF90] =	vst v4;
	v4 =	vld.idx.msk [tilespmem:v6+s22+$0x0], $0xffff;
	v6 =	vor.u32 v11, v5;
	v11 =	vand.u32 $0x7F, v62  }
0x9c: {  	[tilespmem:s18+$0xFFFFFFB0] =	vst v14;
	v8 =	vld [tilespmem:s2+$0x0];
	v10 =	vor.u32 v11, v10  }
0x9d: {  	v9 =	vld.idx.msk [tilespmem:v9+s22+$0x0], $0xffff  }
0x9e: {  	v1 =	vld [tilespmem:s2+$0xFFFFFFF0]  }
0x9f: {  	v12 =	vshll.u32 v18, $0x1;
	[tilespmem:s18+$0x60] =	vst v13;
	v5 =	vld.idx.msk [tilespmem:v7+s22+$0x0], $0xffff  }
0xa0: {  	s4 =	simm.s32 $0xB080;
	s7 =	simm.s32 $0x8;
	v11 =	vand.u32 $0xFFFFFF00, v12;
	v7 =	vld [tilespmem:s2+$0xFFFFFFD0];
	v12 =	vand.u32 $0x7F, v18;
	[tilespmem:s18+$0x50] =	vst v19  }
.LBB2_5:
0xa1: {  	s7 =	sadd.s32 $0x8, s7;
	v13 =	vld.idx.msk [tilespmem:v10+s22+$0x0], $0xffff;
	v10 =	vor.u32 $0x80, v10;
	v14 =	vshll.u32 v2, $0x1;
	v15 =	vor.u32 $0x80, v6;
	s18 =	sadd.s32 $0x100, s18  }
0xa2: {  	v2 =	vand.u32 $0x7F, v2;
	v11 =	vor.u32 v12, v11;
	s2 =	sadd.s32 $0x80, s2;
	p2 =	slt.u32 s7, $0xF8;
	v16 =	vand.u32 $0x7F, v8;
	v6 =	vld.idx.msk [tilespmem:v6+s22+$0x0], $0xffff;
	[tilespmem:s4+$0x30] =	vst v9  }
0xa3: {  	v12 =	vand.u32 $0x7F, v1;
	v17 =	vshll.u32 v1, $0x1;
	v18 =	vor.u32 $0x80, v11;
	v9 =	vld [tilespmem:s2+$0xFFFFFFE0];
	[tilespmem:s4+$0x20] =	vst v3  }
0xa4: {  	v17 =	vand.u32 $0xFFFFFF00, v17;
	v8 =	vshll.u32 v8, $0x1;
	v3 =	vshll.u32 v0, $0x1;
	v1 =	vld [tilespmem:s2+$0xFFFFFFF0];
	[tilespmem:s4+$0x40] =	vst v4  }
0xa5: {  	v14 =	vand.u32 $0xFFFFFF00, v14;
	v3 =	vand.u32 $0xFFFFFF00, v3;
	v4 =	vld [tilespmem:s2+$0x30];
	v19 =	vand.u32 $0x7F, v7;
	[tilespmem:s4+$0x10] =	vst v5;
	s4 =	smov.u32 s18  }
0xa6: {  	v20 =	vand.u32 $0x7F, v0;
	v12 =	vor.u32 v12, v17;
	v14 =	vor.u32 v2, v14;
	v5 =	vld [tilespmem:s2+$0xFFFFFFC0]  }
0xa7: {  	v2 =	vshll.u32 v7, $0x1;
	v3 =	vor.u32 v20, v3;
	[tilespmem:s18+$0xFFFFFF80] =	vst v13;
	v13 =	vand.u32 $0xFFFFFF00, v8;
	v7 =	vld.idx.msk [tilespmem:v11+s22+$0x0], $0xffff  }
0xa8: {  	v2 =	vand.u32 $0xFFFFFF00, v2;
	v8 =	vld.idx.msk [tilespmem:v10+s22+$0x0], $0xffff;
	v10 =	vor.u32 v16, v13;
	[tilespmem:s18+$0xFFFFFFF0] =	vst v6;
	v0 =	vmov v9  }
0xa9: {  	v9 =	vor.u32 v19, v2;
	v11 =	vld.idx.msk [tilespmem:v15+s22+$0x0], $0xffff  }
0xaa: {  	v2 =	vld [tilespmem:s2+$0x10];
	v6 =	vand.u32 $0x7F, v4;
	v4 =	vshll.u32 v4, $0x1  }
0xab: {  	v13 =	vshll.u32 v5, $0x1;
	v4 =	vand.u32 $0xFFFFFF00, v4;
	v15 =	vld.idx.msk [tilespmem:v14+s22+$0x0], $0xffff  }
0xac: {  	v13 =	vand.u32 $0xFFFFFF00, v13;
	v6 =	vor.u32 v6, v4;
	v4 =	vld.idx.msk [tilespmem:v3+s22+$0x0], $0xffff  }
0xad: {  	v14 =	vor.u32 $0x80, v14;
	v16 =	vld.idx.msk [tilespmem:v12+s22+$0x0], $0xffff;
	[tilespmem:s18+$0xFFFFFFE0] =	vst v7  }
0xae: {  	v3 =	vor.u32 $0x80, v3;
	[tilespmem:s18+$0x0] =	vst v8;
	v7 =	vld.idx.msk [tilespmem:v10+s22+$0x0], $0xffff  }
0xaf: {  	v8 =	vor.u32 $0x80, v12;
	v12 =	vld.idx.msk [tilespmem:v18+s22+$0x0], $0xffff;
	[tilespmem:s18+$0x70] =	vst v11  }
0xb0: {  	v11 =	vld.idx.msk [tilespmem:v9+s22+$0x0], $0xffff  }
0xb1: {  	v19 =	vor.u32 $0x80, v10;
	v18 =	vor.u32 $0x80, v9;
	v17 =	vld [tilespmem:s2+$0x20];
	[tilespmem:s18+$0xFFFFFFD0] =	vst v15  }
0xb2: {  	[tilespmem:s18+$0xFFFFFFA0] =	vst v4;
	v14 =	vld.idx.msk [tilespmem:v14+s22+$0x0], $0xffff  }
0xb3: {  	v4 =	vand.u32 $0x7F, v5;
	v3 =	vld.idx.msk [tilespmem:v3+s22+$0x0], $0xffff;
	[tilespmem:s18+$0xFFFFFFB0] =	vst v16  }
.Ltmp1:
0xb4: {  	v10 =	vor.u32 v4, v13;
	v9 =	vld.idx.msk [tilespmem:v8+s22+$0x0], $0xffff;
	[tilespmem:s18+$0xFFFFFFC0] =	vst v7;
	(pc) =	sbr.rel @p2 .LBB2_5-.Ltmp1, $4  }
0xb5: {  	v8 =	vld [tilespmem:s2+$0x0];
	[tilespmem:s18+$0x60] =	vst v12  }
0xb6: {  	v5 =	vshll.u32 v17, $0x1;
	[tilespmem:s18+$0xFFFFFF90] =	vst v11;
	v4 =	vld.idx.msk [tilespmem:v19+s22+$0x0], $0xffff  }
0xb7: {  	v11 =	vand.u32 $0xFFFFFF00, v5;
	v5 =	vld.idx.msk [tilespmem:v18+s22+$0x0], $0xffff  }
0xb8: {  	v12 =	vand.u32 $0x7F, v17;
	v7 =	vld [tilespmem:s2+$0xFFFFFFD0];
	[tilespmem:s18+$0x50] =	vst v14  }
0xb9: {  	_ =	sdelay $0x2  }
0xba: {  	v13 =	vor.u32 $0x80, v10  }
0xbb: {  	v10 =	vld.idx.msk [tilespmem:v10+s22+$0x0], $0xffff;
	v14 =	vshll.u32 v2, $0x1;
	v15 =	vor.u32 $0x80, v6;
	v11 =	vor.u32 v12, v11  }
0xbc: {  	v2 =	vand.u32 $0x7F, v2;
	v6 =	vld.idx.msk [tilespmem:v6+s22+$0x0], $0xffff;
	v16 =	vand.u32 $0x7F, v1;
	v1 =	vshll.u32 v1, $0x1  }
0xbd: {  	v17 =	vshll.u32 v0, $0x1;
	v0 =	vand.u32 $0x7F, v0;
	v14 =	vand.u32 $0xFFFFFF00, v14  }
0xbe: {  	v12 =	vand.u32 $0x7F, v8;
	v1 =	vand.u32 $0xFFFFFF00, v1;
	v2 =	vor.u32 v2, v14  }
0xbf: {  	s2 =	sadd.s32 $0x100, s18;
	[tilespmem:s4+$0x30] =	vst v9;
	v8 =	vshll.u32 v8, $0x1;
	v9 =	vand.u32 $0xFFFFFF00, v17;
	v1 =	vor.u32 v16, v1  }
0xc0: {  	v0 =	vor.u32 v0, v9;
	v8 =	vand.u32 $0xFFFFFF00, v8;
	[tilespmem:s2+$0xFFFFFF80] =	vst v10;
	v10 =	vshll.u32 v7, $0x1;
	v9 =	vld.idx.msk [tilespmem:v11+s22+$0x0], $0xffff  }
0xc1: {  	v8 =	vor.u32 v12, v8;
	v7 =	vand.u32 $0x7F, v7;
	[tilespmem:s2+$0xFFFFFFF0] =	vst v6;
	v13 =	vld.idx.msk [tilespmem:v13+s22+$0x0], $0xffff;
	v10 =	vand.u32 $0xFFFFFF00, v10  }
0xc2: {  	[tilespmem:s4+$0x20] =	vst v3;
	v6 =	vld.idx.msk [tilespmem:v15+s22+$0x0], $0xffff;
	v3 =	vor.u32 v7, v10  }
0xc3: {  	[tilespmem:s4+$0x40] =	vst v4;
	v7 =	vor.u32 $0x80, v11;
	v4 =	vld.idx.msk [tilespmem:v2+s22+$0x0], $0xffff  }
0xc4: {  	[tilespmem:s4+$0x10] =	vst v5;
	v5 =	vld.idx.msk [tilespmem:v1+s22+$0x0], $0xffff;
	v2 =	vor.u32 $0x80, v2  }
0xc5: {  	v10 =	vld.idx.msk [tilespmem:v0+s22+$0x0], $0xffff;
	v1 =	vor.u32 $0x80, v1;
	[tilespmem:s2+$0xFFFFFFE0] =	vst v9  }
0xc6: {  	v0 =	vor.u32 $0x80, v0;
	v9 =	vld.idx.msk [tilespmem:v8+s22+$0x0], $0xffff;
	[tilespmem:s2+$0x0] =	vst v13  }
0xc7: {  	v8 =	vor.u32 $0x80, v8;
	[tilespmem:s2+$0x70] =	vst v6;
	v6 =	vld.idx.msk [tilespmem:v3+s22+$0x0], $0xffff  }
0xc8: {  	v7 =	vld.idx.msk [tilespmem:v7+s22+$0x0], $0xffff;
	v3 =	vor.u32 $0x80, v3;
	[tilespmem:s2+$0xFFFFFFD0] =	vst v4  }
0xc9: {  	[tilespmem:s2+$0xFFFFFFB0] =	vst v5;
	v2 =	vld.idx.msk [tilespmem:v2+s22+$0x0], $0xffff  }
0xca: {  	[tilespmem:s2+$0xFFFFFFA0] =	vst v10;
	v1 =	vld.idx.msk [tilespmem:v1+s22+$0x0], $0xffff  }
0xcb: {  	v0 =	vld.idx.msk [tilespmem:v0+s22+$0x0], $0xffff;
	[tilespmem:s2+$0xFFFFFFC0] =	vst v9  }
0xcc: {  	v4 =	vld.idx.msk [tilespmem:v8+s22+$0x0], $0xffff;
	[tilespmem:s2+$0xFFFFFF90] =	vst v6  }
0xcd: {  	[tilespmem:s2+$0x60] =	vst v7;
	v3 =	vld.idx.msk [tilespmem:v3+s22+$0x0], $0xffff  }
0xce: {  	[tilespmem:s2+$0x50] =	vst v2  }
0xcf: {  	[tilespmem:s2+$0x30] =	vst v1  }
0xd0: {  	[tilespmem:s2+$0x20] =	vst v0  }
0xd1: {  	s7 =	simm.s32 @!p1 $0x400;
	[tilespmem:s2+$0x40] =	vst v4  }
0xd2: {  	s18 =	simm.s32 @!p1 $0x3000;
	s4 =	sadd.s32 @!p1 s6, s11;
	[tilespmem:s2+$0x10] =	vst v3;
	s2 =	simm.s32 @!p1 $0x100  }
0xd3: {  	[tilespmem:s18], [sflag:$0x2] =	stream.strided.gather @!p1 [hbm4b:s4+s2], $0x2000, s7, s2, $0x38;
	[tilespmem:$0x11000] =	vst v63  }
0xd4: {  	s7 =	sadd.s32 s6, s12  }
0xd5: {  	[hbm4b:s7+s19] =	stream.strided.scatter [tilespmem:s29], [sflag:$0x6], $0x2000, s20, s19, $0x38;
	[tilespmem:$0x11000] =	vst v63  }
0xd6: {  	_ =	swait.ge [sflag:s30], $0x2000  }
0xd7: {  	[sflag:s30] =	ssyncset.done $0x0  }
0xd8: {  	s2 =	simm.s32 @!p0 $0x7;
	[sflag:s30] =	ssyncadd.s32 $0xFFFFE000  }
0xd9: {  	_ =	swait.ge @!p0 [sflag:s2], $0x2000  }
0xda: {  	[sflag:s2] =	ssyncset.done @!p0 $0x0  }
0xdb: {  	s18 =	simm.s32 $0x40;
	[sflag:s2] =	ssyncadd.s32 @!p0 $0xFFFFE000  }
0xdc: {  	v0 =	vld [tilespmem:s18+$0xFFFFFFC0]  }
0xdd: {  	v1 =	vld [tilespmem:s18+$0x30];
	_ =	sdelay $0x3  }
0xde: {  	v4 =	vld [tilespmem:s18+$0x20];
	v2 =	vshll.u32 v0, $0x1  }
0xdf: {  	v5 =	vld [tilespmem:s18+$0xFFFFFFE0];
	v3 =	vshll.u32 v1, $0x1;
	v0 =	vand.u32 $0x7F, v0;
	v2 =	vand.u32 $0xFFFFFF00, v2  }
0xe0: {  	v1 =	vand.u32 $0x7F, v1;
	v3 =	vand.u32 $0xFFFFFF00, v3;
	v0 =	vor.u32 v0, v2  }
0xe1: {  	v6 =	vld [tilespmem:s18+$0x0];
	v1 =	vor.u32 v1, v3  }
0xe2: {  	v3 =	vld [tilespmem:s18+$0x10]  }
0xe3: {  	v7 =	vshll.u32 v4, $0x1;
	v2 =	vld [tilespmem:s18+$0xFFFFFFF0]  }
0xe4: {  	v8 =	vld [tilespmem:s18+$0xFFFFFFD0];
	v4 =	vand.u32 $0x7F, v4;
	v14 =	vshll.u32 v5, $0x1;
	v7 =	vand.u32 $0xFFFFFF00, v7  }
0xe5: {  	v5 =	vand.u32 $0x7F, v5;
	v14 =	vand.u32 $0xFFFFFF00, v14;
	v4 =	vor.u32 v4, v7;
	v9 =	vld.idx.msk [tilespmem:v0+s23+$0x0], $0xffff  }
0xe6: {  	s2 =	simm.s32 $0xC0;
	v5 =	vor.u32 v5, v14;
	v10 =	vor.u32 $0x80, v0;
	v7 =	vld.idx.msk [tilespmem:v1+s23+$0x0], $0xffff  }
0xe7: {  	v15 =	vld [tilespmem:s2+$0x30];
	v12 =	vor.u32 $0x80, v1;
	v11 =	vshll.u32 v3, $0x1;
	v3 =	vand.u32 $0x7F, v3  }
0xe8: {  	v62 =	vld [tilespmem:s2+$0xFFFFFFC0];
	v13 =	vand.u32 $0x7F, v2;
	v2 =	vshll.u32 v2, $0x1;
	v11 =	vand.u32 $0xFFFFFF00, v11  }
0xe9: {  	v18 =	vld [tilespmem:s2+$0x20];
	s18 =	simm.s32 $0xD080;
	v2 =	vand.u32 $0xFFFFFF00, v2;
	v3 =	vor.u32 v3, v11;
	v11 =	vshll.u32 v6, $0x1  }
0xea: {  	v6 =	vand.u32 $0x7F, v6;
	v13 =	vor.u32 v13, v2;
	v2 =	vand.u32 $0xFFFFFF00, v11;
	[tilespmem:s18+$0xFFFFFF80] =	vst v9;
	v9 =	vld.idx.msk [tilespmem:v4+s23+$0x0], $0xffff  }
0xeb: {  	v6 =	vor.u32 v6, v2;
	[tilespmem:s18+$0xFFFFFFF0] =	vst v7;
	v7 =	vshll.u32 v8, $0x1;
	v10 =	vld.idx.msk [tilespmem:v10+s23+$0x0], $0xffff  }
0xec: {  	v4 =	vor.u32 $0x80, v4;
	v8 =	vand.u32 $0x7F, v8;
	v11 =	vld.idx.msk [tilespmem:v12+s23+$0x0], $0xffff;
	v7 =	vand.u32 $0xFFFFFF00, v7  }
0xed: {  	v12 =	vld.idx.msk [tilespmem:v5+s23+$0x0], $0xffff;
	v7 =	vor.u32 v8, v7  }
0xee: {  	v8 =	vld.idx.msk [tilespmem:v3+s23+$0x0], $0xffff  }
0xef: {  	v14 =	vld.idx.msk [tilespmem:v13+s23+$0x0], $0xffff;
	v3 =	vor.u32 $0x80, v3  }
0xf0: {  	v5 =	vor.u32 $0x80, v5;
	v63 =	vld.idx.msk [tilespmem:v6+s23+$0x0], $0xffff;
	[tilespmem:s18+$0xFFFFFFE0] =	vst v9  }
0xf1: {  	v9 =	vor.u32 $0x80, v13;
	v13 =	vld.idx.msk [tilespmem:v4+s23+$0x0], $0xffff  }
0xf2: {  	v6 =	vor.u32 $0x80, v6;
	[tilespmem:s18+$0x0] =	vst v10;
	v4 =	vld.idx.msk [tilespmem:v7+s23+$0x0], $0xffff  }
0xf3: {  	v0 =	vld [tilespmem:s2+$0xFFFFFFE0];
	[tilespmem:s18+$0xFFFFFFD0] =	vst v8  }
0xf4: {  	[tilespmem:s18+$0xFFFFFFA0] =	vst v12;
	v19 =	vld.idx.msk [tilespmem:v3+s23+$0x0], $0xffff  }
0xf5: {  	[tilespmem:s18+$0x70] =	vst v11;
	v10 =	vshll.u32 v62, $0x1;
	v3 =	vld.idx.msk [tilespmem:v5+s23+$0x0], $0xffff;
	v5 =	vshll.u32 v15, $0x1  }
0xf6: {  	v2 =	vld [tilespmem:s2+$0x10];
	v11 =	vand.u32 $0x7F, v15;
	v7 =	vor.u32 $0x80, v7;
	[tilespmem:s18+$0xFFFFFFC0] =	vst v63;
	v5 =	vand.u32 $0xFFFFFF00, v5  }
0xf7: {  	v10 =	vand.u32 $0xFFFFFF00, v10;
	[tilespmem:s18+$0xFFFFFF90] =	vst v4;
	v4 =	vld.idx.msk [tilespmem:v6+s23+$0x0], $0xffff;
	v6 =	vor.u32 v11, v5;
	v11 =	vand.u32 $0x7F, v62  }
0xf8: {  	[tilespmem:s18+$0xFFFFFFB0] =	vst v14;
	v8 =	vld [tilespmem:s2+$0x0];
	v10 =	vor.u32 v11, v10  }
0xf9: {  	v9 =	vld.idx.msk [tilespmem:v9+s23+$0x0], $0xffff  }
0xfa: {  	v1 =	vld [tilespmem:s2+$0xFFFFFFF0]  }
0xfb: {  	v12 =	vshll.u32 v18, $0x1;
	[tilespmem:s18+$0x60] =	vst v13;
	v5 =	vld.idx.msk [tilespmem:v7+s23+$0x0], $0xffff  }
0xfc: {  	s4 =	simm.s32 $0xD080;
	s7 =	simm.s32 $0x8;
	v11 =	vand.u32 $0xFFFFFF00, v12;
	v7 =	vld [tilespmem:s2+$0xFFFFFFD0];
	v12 =	vand.u32 $0x7F, v18;
	[tilespmem:s18+$0x50] =	vst v19  }
.LBB2_7:
0xfd: {  	s7 =	sadd.s32 $0x8, s7;
	v13 =	vld.idx.msk [tilespmem:v10+s23+$0x0], $0xffff;
	v10 =	vor.u32 $0x80, v10;
	v14 =	vshll.u32 v2, $0x1;
	v15 =	vor.u32 $0x80, v6;
	s18 =	sadd.s32 $0x100, s18  }
0xfe: {  	v2 =	vand.u32 $0x7F, v2;
	v11 =	vor.u32 v12, v11;
	s2 =	sadd.s32 $0x80, s2;
	p2 =	slt.u32 s7, $0xF8;
	v16 =	vand.u32 $0x7F, v8;
	v6 =	vld.idx.msk [tilespmem:v6+s23+$0x0], $0xffff;
	[tilespmem:s4+$0x30] =	vst v9  }
0xff: {  	v12 =	vand.u32 $0x7F, v1;
	v17 =	vshll.u32 v1, $0x1;
	v18 =	vor.u32 $0x80, v11;
	v9 =	vld [tilespmem:s2+$0xFFFFFFE0];
	[tilespmem:s4+$0x20] =	vst v3  }
0x100: {  	v17 =	vand.u32 $0xFFFFFF00, v17;
	v8 =	vshll.u32 v8, $0x1;
	v3 =	vshll.u32 v0, $0x1;
	v1 =	vld [tilespmem:s2+$0xFFFFFFF0];
	[tilespmem:s4+$0x40] =	vst v4  }
0x101: {  	v14 =	vand.u32 $0xFFFFFF00, v14;
	v3 =	vand.u32 $0xFFFFFF00, v3;
	v4 =	vld [tilespmem:s2+$0x30];
	v19 =	vand.u32 $0x7F, v7;
	[tilespmem:s4+$0x10] =	vst v5;
	s4 =	smov.u32 s18  }
0x102: {  	v20 =	vand.u32 $0x7F, v0;
	v12 =	vor.u32 v12, v17;
	v14 =	vor.u32 v2, v14;
	v5 =	vld [tilespmem:s2+$0xFFFFFFC0]  }
0x103: {  	v2 =	vshll.u32 v7, $0x1;
	v3 =	vor.u32 v20, v3;
	[tilespmem:s18+$0xFFFFFF80] =	vst v13;
	v13 =	vand.u32 $0xFFFFFF00, v8;
	v7 =	vld.idx.msk [tilespmem:v11+s23+$0x0], $0xffff  }
0x104: {  	v2 =	vand.u32 $0xFFFFFF00, v2;
	v8 =	vld.idx.msk [tilespmem:v10+s23+$0x0], $0xffff;
	v10 =	vor.u32 v16, v13;
	[tilespmem:s18+$0xFFFFFFF0] =	vst v6;
	v0 =	vmov v9  }
0x105: {  	v9 =	vor.u32 v19, v2;
	v11 =	vld.idx.msk [tilespmem:v15+s23+$0x0], $0xffff  }
0x106: {  	v2 =	vld [tilespmem:s2+$0x10];
	v6 =	vand.u32 $0x7F, v4;
	v4 =	vshll.u32 v4, $0x1  }
0x107: {  	v13 =	vshll.u32 v5, $0x1;
	v4 =	vand.u32 $0xFFFFFF00, v4;
	v15 =	vld.idx.msk [tilespmem:v14+s23+$0x0], $0xffff  }
0x108: {  	v13 =	vand.u32 $0xFFFFFF00, v13;
	v6 =	vor.u32 v6, v4;
	v4 =	vld.idx.msk [tilespmem:v3+s23+$0x0], $0xffff  }
0x109: {  	v14 =	vor.u32 $0x80, v14;
	v16 =	vld.idx.msk [tilespmem:v12+s23+$0x0], $0xffff;
	[tilespmem:s18+$0xFFFFFFE0] =	vst v7  }
0x10a: {  	v3 =	vor.u32 $0x80, v3;
	[tilespmem:s18+$0x0] =	vst v8;
	v7 =	vld.idx.msk [tilespmem:v10+s23+$0x0], $0xffff  }
0x10b: {  	v8 =	vor.u32 $0x80, v12;
	v12 =	vld.idx.msk [tilespmem:v18+s23+$0x0], $0xffff;
	[tilespmem:s18+$0x70] =	vst v11  }
0x10c: {  	v11 =	vld.idx.msk [tilespmem:v9+s23+$0x0], $0xffff  }
0x10d: {  	v19 =	vor.u32 $0x80, v10;
	v18 =	vor.u32 $0x80, v9;
	v17 =	vld [tilespmem:s2+$0x20];
	[tilespmem:s18+$0xFFFFFFD0] =	vst v15  }
0x10e: {  	[tilespmem:s18+$0xFFFFFFA0] =	vst v4;
	v14 =	vld.idx.msk [tilespmem:v14+s23+$0x0], $0xffff  }
0x10f: {  	v4 =	vand.u32 $0x7F, v5;
	v3 =	vld.idx.msk [tilespmem:v3+s23+$0x0], $0xffff;
	[tilespmem:s18+$0xFFFFFFB0] =	vst v16  }
.Ltmp2:
0x110: {  	v10 =	vor.u32 v4, v13;
	v9 =	vld.idx.msk [tilespmem:v8+s23+$0x0], $0xffff;
	[tilespmem:s18+$0xFFFFFFC0] =	vst v7;
	(pc) =	sbr.rel @p2 .LBB2_7-.Ltmp2, $4  }
0x111: {  	v8 =	vld [tilespmem:s2+$0x0];
	[tilespmem:s18+$0x60] =	vst v12  }
0x112: {  	v5 =	vshll.u32 v17, $0x1;
	[tilespmem:s18+$0xFFFFFF90] =	vst v11;
	v4 =	vld.idx.msk [tilespmem:v19+s23+$0x0], $0xffff  }
0x113: {  	v11 =	vand.u32 $0xFFFFFF00, v5;
	v5 =	vld.idx.msk [tilespmem:v18+s23+$0x0], $0xffff  }
0x114: {  	v12 =	vand.u32 $0x7F, v17;
	v7 =	vld [tilespmem:s2+$0xFFFFFFD0];
	[tilespmem:s18+$0x50] =	vst v14  }
0x115: {  	_ =	sdelay $0x2  }
0x116: {  	v13 =	vor.u32 $0x80, v10  }
0x117: {  	v10 =	vld.idx.msk [tilespmem:v10+s23+$0x0], $0xffff;
	v14 =	vshll.u32 v2, $0x1;
	v15 =	vor.u32 $0x80, v6;
	v11 =	vor.u32 v12, v11  }
0x118: {  	v2 =	vand.u32 $0x7F, v2;
	v6 =	vld.idx.msk [tilespmem:v6+s23+$0x0], $0xffff;
	v16 =	vand.u32 $0x7F, v1;
	v1 =	vshll.u32 v1, $0x1  }
0x119: {  	v17 =	vshll.u32 v0, $0x1;
	v0 =	vand.u32 $0x7F, v0;
	v14 =	vand.u32 $0xFFFFFF00, v14  }
0x11a: {  	v12 =	vand.u32 $0x7F, v8;
	v1 =	vand.u32 $0xFFFFFF00, v1;
	v2 =	vor.u32 v2, v14  }
0x11b: {  	s2 =	sadd.s32 $0x100, s18;
	[tilespmem:s4+$0x30] =	vst v9;
	v8 =	vshll.u32 v8, $0x1;
	v9 =	vand.u32 $0xFFFFFF00, v17;
	v1 =	vor.u32 v16, v1  }
0x11c: {  	v0 =	vor.u32 v0, v9;
	v8 =	vand.u32 $0xFFFFFF00, v8;
	[tilespmem:s2+$0xFFFFFF80] =	vst v10;
	v10 =	vshll.u32 v7, $0x1;
	v9 =	vld.idx.msk [tilespmem:v11+s23+$0x0], $0xffff  }
0x11d: {  	v8 =	vor.u32 v12, v8;
	v7 =	vand.u32 $0x7F, v7;
	[tilespmem:s2+$0xFFFFFFF0] =	vst v6;
	v13 =	vld.idx.msk [tilespmem:v13+s23+$0x0], $0xffff;
	v10 =	vand.u32 $0xFFFFFF00, v10  }
0x11e: {  	[tilespmem:s4+$0x20] =	vst v3;
	v6 =	vld.idx.msk [tilespmem:v15+s23+$0x0], $0xffff;
	v3 =	vor.u32 v7, v10  }
0x11f: {  	[tilespmem:s4+$0x40] =	vst v4;
	v7 =	vor.u32 $0x80, v11;
	v4 =	vld.idx.msk [tilespmem:v2+s23+$0x0], $0xffff  }
0x120: {  	[tilespmem:s4+$0x10] =	vst v5;
	v5 =	vld.idx.msk [tilespmem:v1+s23+$0x0], $0xffff;
	v2 =	vor.u32 $0x80, v2  }
0x121: {  	v10 =	vld.idx.msk [tilespmem:v0+s23+$0x0], $0xffff;
	v1 =	vor.u32 $0x80, v1;
	[tilespmem:s2+$0xFFFFFFE0] =	vst v9  }
0x122: {  	v0 =	vor.u32 $0x80, v0;
	v9 =	vld.idx.msk [tilespmem:v8+s23+$0x0], $0xffff;
	[tilespmem:s2+$0x0] =	vst v13  }
0x123: {  	v8 =	vor.u32 $0x80, v8;
	[tilespmem:s2+$0x70] =	vst v6;
	v6 =	vld.idx.msk [tilespmem:v3+s23+$0x0], $0xffff  }
0x124: {  	v7 =	vld.idx.msk [tilespmem:v7+s23+$0x0], $0xffff;
	v3 =	vor.u32 $0x80, v3;
	[tilespmem:s2+$0xFFFFFFD0] =	vst v4  }
0x125: {  	[tilespmem:s2+$0xFFFFFFB0] =	vst v5;
	v2 =	vld.idx.msk [tilespmem:v2+s23+$0x0], $0xffff  }
0x126: {  	[tilespmem:s2+$0xFFFFFFA0] =	vst v10;
	v1 =	vld.idx.msk [tilespmem:v1+s23+$0x0], $0xffff  }
0x127: {  	v0 =	vld.idx.msk [tilespmem:v0+s23+$0x0], $0xffff;
	[tilespmem:s2+$0xFFFFFFC0] =	vst v9  }
0x128: {  	v4 =	vld.idx.msk [tilespmem:v8+s23+$0x0], $0xffff;
	[tilespmem:s2+$0xFFFFFF90] =	vst v6  }
0x129: {  	[tilespmem:s2+$0x60] =	vst v7;
	v3 =	vld.idx.msk [tilespmem:v3+s23+$0x0], $0xffff  }
0x12a: {  	[tilespmem:s2+$0x50] =	vst v2  }
0x12b: {  	[tilespmem:s2+$0x30] =	vst v1  }
0x12c: {  	[tilespmem:s2+$0x20] =	vst v0  }
0x12d: {  	s7 =	simm.s32 @!p1 $0x400;
	[tilespmem:s2+$0x40] =	vst v4  }
0x12e: {  	s18 =	simm.s32 @!p1 $0x5000;
	s4 =	sadd.s32 @!p1 s6, s13;
	[tilespmem:s2+$0x10] =	vst v3;
	s2 =	simm.s32 @!p1 $0x100  }
0x12f: {  	[tilespmem:s18], [sflag:$0x3] =	stream.strided.gather @!p1 [hbm4b:s4+s2], $0x2000, s7, s2, $0x38;
	[tilespmem:$0x11000] =	vst v63  }
0x130: {  	s7 =	sadd.s32 s6, s14  }
0x131: {  	[hbm4b:s7+s19] =	stream.strided.scatter [tilespmem:s31], [sflag:$0x7], $0x2000, s20, s19, $0x38;
	[tilespmem:$0x11000] =	vst v63  }
0x132: {  	_ =	swait.ge [sflag:s0], $0x2000  }
0x133: {  	[sflag:s0] =	ssyncset.done $0x0  }
0x134: {  	s2 =	simm.s32 @!p0 $0x8;
	[sflag:s0] =	ssyncadd.s32 $0xFFFFE000  }
0x135: {  	_ =	swait.ge @!p0 [sflag:s2], $0x2000  }
0x136: {  	[sflag:s2] =	ssyncset.done @!p0 $0x0  }
0x137: {  	s18 =	simm.s32 $0x40;
	[sflag:s2] =	ssyncadd.s32 @!p0 $0xFFFFE000  }
0x138: {  	v0 =	vld [tilespmem:s18+$0xFFFFFFC0]  }
0x139: {  	v1 =	vld [tilespmem:s18+$0x30];
	_ =	sdelay $0x3  }
0x13a: {  	v4 =	vld [tilespmem:s18+$0x20];
	v2 =	vshll.u32 v0, $0x1  }
0x13b: {  	v5 =	vld [tilespmem:s18+$0xFFFFFFE0];
	v3 =	vshll.u32 v1, $0x1;
	v0 =	vand.u32 $0x7F, v0;
	v2 =	vand.u32 $0xFFFFFF00, v2  }
0x13c: {  	v1 =	vand.u32 $0x7F, v1;
	v3 =	vand.u32 $0xFFFFFF00, v3;
	v0 =	vor.u32 v0, v2  }
0x13d: {  	v6 =	vld [tilespmem:s18+$0x0];
	v1 =	vor.u32 v1, v3  }
0x13e: {  	v3 =	vld [tilespmem:s18+$0x10]  }
0x13f: {  	v7 =	vshll.u32 v4, $0x1;
	v2 =	vld [tilespmem:s18+$0xFFFFFFF0]  }
0x140: {  	v8 =	vld [tilespmem:s18+$0xFFFFFFD0];
	v4 =	vand.u32 $0x7F, v4;
	v14 =	vshll.u32 v5, $0x1;
	v7 =	vand.u32 $0xFFFFFF00, v7  }
0x141: {  	v5 =	vand.u32 $0x7F, v5;
	v14 =	vand.u32 $0xFFFFFF00, v14;
	v4 =	vor.u32 v4, v7;
	v9 =	vld.idx.msk [tilespmem:v0+s24+$0x0], $0xffff  }
0x142: {  	s2 =	simm.s32 $0xC0;
	v5 =	vor.u32 v5, v14;
	v10 =	vor.u32 $0x80, v0;
	v7 =	vld.idx.msk [tilespmem:v1+s24+$0x0], $0xffff  }
0x143: {  	v15 =	vld [tilespmem:s2+$0x30];
	v12 =	vor.u32 $0x80, v1;
	v11 =	vshll.u32 v3, $0x1;
	v3 =	vand.u32 $0x7F, v3  }
0x144: {  	v62 =	vld [tilespmem:s2+$0xFFFFFFC0];
	v13 =	vand.u32 $0x7F, v2;
	v2 =	vshll.u32 v2, $0x1;
	v11 =	vand.u32 $0xFFFFFF00, v11  }
0x145: {  	v18 =	vld [tilespmem:s2+$0x20];
	s18 =	simm.s32 $0xF080;
	v2 =	vand.u32 $0xFFFFFF00, v2;
	v3 =	vor.u32 v3, v11;
	v11 =	vshll.u32 v6, $0x1  }
0x146: {  	v6 =	vand.u32 $0x7F, v6;
	v13 =	vor.u32 v13, v2;
	v2 =	vand.u32 $0xFFFFFF00, v11;
	[tilespmem:s18+$0xFFFFFF80] =	vst v9;
	v9 =	vld.idx.msk [tilespmem:v4+s24+$0x0], $0xffff  }
0x147: {  	v6 =	vor.u32 v6, v2;
	[tilespmem:s18+$0xFFFFFFF0] =	vst v7;
	v7 =	vshll.u32 v8, $0x1;
	v10 =	vld.idx.msk [tilespmem:v10+s24+$0x0], $0xffff  }
0x148: {  	v4 =	vor.u32 $0x80, v4;
	v8 =	vand.u32 $0x7F, v8;
	v11 =	vld.idx.msk [tilespmem:v12+s24+$0x0], $0xffff;
	v7 =	vand.u32 $0xFFFFFF00, v7  }
0x149: {  	v12 =	vld.idx.msk [tilespmem:v5+s24+$0x0], $0xffff;
	v7 =	vor.u32 v8, v7  }
0x14a: {  	v8 =	vld.idx.msk [tilespmem:v3+s24+$0x0], $0xffff  }
0x14b: {  	v14 =	vld.idx.msk [tilespmem:v13+s24+$0x0], $0xffff;
	v3 =	vor.u32 $0x80, v3  }
0x14c: {  	v5 =	vor.u32 $0x80, v5;
	v63 =	vld.idx.msk [tilespmem:v6+s24+$0x0], $0xffff;
	[tilespmem:s18+$0xFFFFFFE0] =	vst v9  }
0x14d: {  	v9 =	vor.u32 $0x80, v13;
	v13 =	vld.idx.msk [tilespmem:v4+s24+$0x0], $0xffff  }
0x14e: {  	v6 =	vor.u32 $0x80, v6;
	[tilespmem:s18+$0x0] =	vst v10;
	v4 =	vld.idx.msk [tilespmem:v7+s24+$0x0], $0xffff  }
0x14f: {  	v0 =	vld [tilespmem:s2+$0xFFFFFFE0];
	[tilespmem:s18+$0xFFFFFFD0] =	vst v8  }
0x150: {  	[tilespmem:s18+$0xFFFFFFA0] =	vst v12;
	v19 =	vld.idx.msk [tilespmem:v3+s24+$0x0], $0xffff  }
0x151: {  	[tilespmem:s18+$0x70] =	vst v11;
	v10 =	vshll.u32 v62, $0x1;
	v3 =	vld.idx.msk [tilespmem:v5+s24+$0x0], $0xffff;
	v5 =	vshll.u32 v15, $0x1  }
0x152: {  	v2 =	vld [tilespmem:s2+$0x10];
	v11 =	vand.u32 $0x7F, v15;
	v7 =	vor.u32 $0x80, v7;
	[tilespmem:s18+$0xFFFFFFC0] =	vst v63;
	v5 =	vand.u32 $0xFFFFFF00, v5  }
0x153: {  	v10 =	vand.u32 $0xFFFFFF00, v10;
	[tilespmem:s18+$0xFFFFFF90] =	vst v4;
	v4 =	vld.idx.msk [tilespmem:v6+s24+$0x0], $0xffff;
	v6 =	vor.u32 v11, v5;
	v11 =	vand.u32 $0x7F, v62  }
0x154: {  	[tilespmem:s18+$0xFFFFFFB0] =	vst v14;
	v8 =	vld [tilespmem:s2+$0x0];
	v10 =	vor.u32 v11, v10  }
0x155: {  	v9 =	vld.idx.msk [tilespmem:v9+s24+$0x0], $0xffff  }
0x156: {  	v1 =	vld [tilespmem:s2+$0xFFFFFFF0]  }
0x157: {  	v12 =	vshll.u32 v18, $0x1;
	[tilespmem:s18+$0x60] =	vst v13;
	v5 =	vld.idx.msk [tilespmem:v7+s24+$0x0], $0xffff  }
0x158: {  	s4 =	simm.s32 $0xF080;
	s7 =	simm.s32 $0x8;
	v11 =	vand.u32 $0xFFFFFF00, v12;
	v7 =	vld [tilespmem:s2+$0xFFFFFFD0];
	v12 =	vand.u32 $0x7F, v18;
	[tilespmem:s18+$0x50] =	vst v19  }
.LBB2_9:
0x159: {  	s7 =	sadd.s32 $0x8, s7;
	v13 =	vld.idx.msk [tilespmem:v10+s24+$0x0], $0xffff;
	v10 =	vor.u32 $0x80, v10;
	v14 =	vshll.u32 v2, $0x1;
	v15 =	vor.u32 $0x80, v6;
	s18 =	sadd.s32 $0x100, s18  }
0x15a: {  	v2 =	vand.u32 $0x7F, v2;
	v11 =	vor.u32 v12, v11;
	s2 =	sadd.s32 $0x80, s2;
	p0 =	slt.u32 s7, $0xF8;
	v16 =	vand.u32 $0x7F, v8;
	v6 =	vld.idx.msk [tilespmem:v6+s24+$0x0], $0xffff;
	[tilespmem:s4+$0x30] =	vst v9  }
0x15b: {  	v12 =	vand.u32 $0x7F, v1;
	v17 =	vshll.u32 v1, $0x1;
	v18 =	vor.u32 $0x80, v11;
	v9 =	vld [tilespmem:s2+$0xFFFFFFE0];
	[tilespmem:s4+$0x20] =	vst v3  }
0x15c: {  	v17 =	vand.u32 $0xFFFFFF00, v17;
	v8 =	vshll.u32 v8, $0x1;
	v3 =	vshll.u32 v0, $0x1;
	v1 =	vld [tilespmem:s2+$0xFFFFFFF0];
	[tilespmem:s4+$0x40] =	vst v4  }
0x15d: {  	v14 =	vand.u32 $0xFFFFFF00, v14;
	v3 =	vand.u32 $0xFFFFFF00, v3;
	v4 =	vld [tilespmem:s2+$0x30];
	v19 =	vand.u32 $0x7F, v7;
	[tilespmem:s4+$0x10] =	vst v5;
	s4 =	smov.u32 s18  }
0x15e: {  	v20 =	vand.u32 $0x7F, v0;
	v12 =	vor.u32 v12, v17;
	v14 =	vor.u32 v2, v14;
	v5 =	vld [tilespmem:s2+$0xFFFFFFC0]  }
0x15f: {  	v2 =	vshll.u32 v7, $0x1;
	v3 =	vor.u32 v20, v3;
	[tilespmem:s18+$0xFFFFFF80] =	vst v13;
	v13 =	vand.u32 $0xFFFFFF00, v8;
	v7 =	vld.idx.msk [tilespmem:v11+s24+$0x0], $0xffff  }
0x160: {  	v2 =	vand.u32 $0xFFFFFF00, v2;
	v8 =	vld.idx.msk [tilespmem:v10+s24+$0x0], $0xffff;
	v10 =	vor.u32 v16, v13;
	[tilespmem:s18+$0xFFFFFFF0] =	vst v6;
	v0 =	vmov v9  }
0x161: {  	v9 =	vor.u32 v19, v2;
	v11 =	vld.idx.msk [tilespmem:v15+s24+$0x0], $0xffff  }
0x162: {  	v2 =	vld [tilespmem:s2+$0x10];
	v6 =	vand.u32 $0x7F, v4;
	v4 =	vshll.u32 v4, $0x1  }
0x163: {  	v13 =	vshll.u32 v5, $0x1;
	v4 =	vand.u32 $0xFFFFFF00, v4;
	v15 =	vld.idx.msk [tilespmem:v14+s24+$0x0], $0xffff  }
0x164: {  	v13 =	vand.u32 $0xFFFFFF00, v13;
	v6 =	vor.u32 v6, v4;
	v4 =	vld.idx.msk [tilespmem:v3+s24+$0x0], $0xffff  }
0x165: {  	v14 =	vor.u32 $0x80, v14;
	v16 =	vld.idx.msk [tilespmem:v12+s24+$0x0], $0xffff;
	[tilespmem:s18+$0xFFFFFFE0] =	vst v7  }
0x166: {  	v3 =	vor.u32 $0x80, v3;
	[tilespmem:s18+$0x0] =	vst v8;
	v7 =	vld.idx.msk [tilespmem:v10+s24+$0x0], $0xffff  }
0x167: {  	v8 =	vor.u32 $0x80, v12;
	v12 =	vld.idx.msk [tilespmem:v18+s24+$0x0], $0xffff;
	[tilespmem:s18+$0x70] =	vst v11  }
0x168: {  	v11 =	vld.idx.msk [tilespmem:v9+s24+$0x0], $0xffff  }
0x169: {  	v19 =	vor.u32 $0x80, v10;
	v18 =	vor.u32 $0x80, v9;
	v17 =	vld [tilespmem:s2+$0x20];
	[tilespmem:s18+$0xFFFFFFD0] =	vst v15  }
0x16a: {  	[tilespmem:s18+$0xFFFFFFA0] =	vst v4;
	v14 =	vld.idx.msk [tilespmem:v14+s24+$0x0], $0xffff  }
0x16b: {  	v4 =	vand.u32 $0x7F, v5;
	v3 =	vld.idx.msk [tilespmem:v3+s24+$0x0], $0xffff;
	[tilespmem:s18+$0xFFFFFFB0] =	vst v16  }
.Ltmp3:
0x16c: {  	v10 =	vor.u32 v4, v13;
	v9 =	vld.idx.msk [tilespmem:v8+s24+$0x0], $0xffff;
	[tilespmem:s18+$0xFFFFFFC0] =	vst v7;
	(pc) =	sbr.rel @p0 .LBB2_9-.Ltmp3, $4  }
0x16d: {  	v8 =	vld [tilespmem:s2+$0x0];
	[tilespmem:s18+$0x60] =	vst v12  }
0x16e: {  	v5 =	vshll.u32 v17, $0x1;
	[tilespmem:s18+$0xFFFFFF90] =	vst v11;
	v4 =	vld.idx.msk [tilespmem:v19+s24+$0x0], $0xffff  }
0x16f: {  	v11 =	vand.u32 $0xFFFFFF00, v5;
	v5 =	vld.idx.msk [tilespmem:v18+s24+$0x0], $0xffff  }
0x170: {  	v12 =	vand.u32 $0x7F, v17;
	v7 =	vld [tilespmem:s2+$0xFFFFFFD0];
	[tilespmem:s18+$0x50] =	vst v14  }
0x171: {  	_ =	sdelay $0x2  }
0x172: {  	v13 =	vor.u32 $0x80, v10  }
0x173: {  	v44 =	vld.idx.msk [tilespmem:v10+s24+$0x0], $0xffff;
	v14 =	vshll.u32 v2, $0x1;
	v15 =	vor.u32 $0x80, v6;
	v11 =	vor.u32 v12, v11  }
0x174: {  	v46 =	vand.u32 $0x7F, v2;
	v47 =	vld.idx.msk [tilespmem:v6+s24+$0x0], $0xffff;
	v16 =	vand.u32 $0x7F, v1;
	v48 =	vshll.u32 v1, $0x1  }
0x175: {  	v49 =	vshll.u32 v0, $0x1;
	v52 =	vand.u32 $0x7F, v0;
	v14 =	vand.u32 $0xFFFFFF00, v14  }
0x176: {  	v45 =	vand.u32 $0x7F, v8;
	v1 =	vand.u32 $0xFFFFFF00, v48;
	v2 =	vor.u32 v46, v14  }
0x177: {  	s2 =	sadd.s32 $0x100, s18;
	[tilespmem:s4+$0x30] =	vst v9;
	v50 =	vshll.u32 v8, $0x1;
	v51 =	vand.u32 $0xFFFFFF00, v49;
	v1 =	vor.u32 v16, v1  }
0x178: {  	v0 =	vor.u32 v52, v51;
	v8 =	vand.u32 $0xFFFFFF00, v50;
	v53 =	vshll.u32 v7, $0x1;
	[tilespmem:s2+$0xFFFFFF80] =	vst v44;
	v54 =	vld.idx.msk [tilespmem:v11+s24+$0x0], $0xffff  }
0x179: {  	v8 =	vor.u32 v45, v8;
	v55 =	vand.u32 $0x7F, v7;
	v10 =	vand.u32 $0xFFFFFF00, v53;
	[tilespmem:s2+$0xFFFFFFF0] =	vst v47;
	v13 =	vld.idx.msk [tilespmem:v13+s24+$0x0], $0xffff  }
0x17a: {  	[tilespmem:s4+$0x20] =	vst v3;
	v56 =	vor.u32 v55, v10;
	v6 =	vld.idx.msk [tilespmem:v15+s24+$0x0], $0xffff  }
0x17b: {  	v57 =	vor.u32 $0x80, v11;
	[tilespmem:s4+$0x40] =	vst v4;
	v58 =	vld.idx.msk [tilespmem:v2+s24+$0x0], $0xffff  }
0x17c: {  	[tilespmem:s4+$0x10] =	vst v5;
	v59 =	vld.idx.msk [tilespmem:v1+s24+$0x0], $0xffff;
	v2 =	vor.u32 $0x80, v2  }
0x17d: {  	v60 =	vld.idx.msk [tilespmem:v0+s24+$0x0], $0xffff;
	v1 =	vor.u32 $0x80, v1;
	[tilespmem:s2+$0xFFFFFFE0] =	vst v54  }
0x17e: {  	v0 =	vor.u32 $0x80, v0;
	v61 =	vld.idx.msk [tilespmem:v8+s24+$0x0], $0xffff;
	[tilespmem:s2+$0x0] =	vst v13  }
0x17f: {  	v8 =	vor.u32 $0x80, v8;
	[tilespmem:s2+$0x70] =	vst v6;
	v62 =	vld.idx.msk [tilespmem:v56+s24+$0x0], $0xffff  }
0x180: {  	v3 =	vor.u32 $0x80, v56;
	v7 =	vld.idx.msk [tilespmem:v57+s24+$0x0], $0xffff;
	[tilespmem:s2+$0xFFFFFFD0] =	vst v58  }
0x181: {  	[tilespmem:s2+$0xFFFFFFB0] =	vst v59;
	v2 =	vld.idx.msk [tilespmem:v2+s24+$0x0], $0xffff  }
0x182: {  	[tilespmem:s2+$0xFFFFFFA0] =	vst v60;
	v1 =	vld.idx.msk [tilespmem:v1+s24+$0x0], $0xffff  }
0x183: {  	v0 =	vld.idx.msk [tilespmem:v0+s24+$0x0], $0xffff;
	[tilespmem:s2+$0xFFFFFFC0] =	vst v61  }
0x184: {  	v63 =	vld.idx.msk [tilespmem:v8+s24+$0x0], $0xffff;
	[tilespmem:s2+$0xFFFFFF90] =	vst v62  }
0x185: {  	[tilespmem:s2+$0x60] =	vst v7;
	v3 =	vld.idx.msk [tilespmem:v3+s24+$0x0], $0xffff  }
0x186: {  	[tilespmem:s2+$0x50] =	vst v2  }
0x187: {  	s17 =	sadd.s32 $0x1, s17;
	[tilespmem:s2+$0x30] =	vst v1  }
0x188: {  	p0 =	sne.s32 s17, $0x20;
	[tilespmem:s2+$0x20] =	vst v0  }
.Ltmp4:
0x189: {  	s7 =	simm.s32 @!p1 $0x400;
	[tilespmem:s2+$0x40] =	vst v63;
	(pc) =	sbr.rel @p0 .LBB2_2-.Ltmp4, $4  }
0x18a: {  	s18 =	simm.s32 @!p1 $0x7000;
	s4 =	sadd.s32 @!p1 s6, s15;
	[tilespmem:s2+$0x10] =	vst v3;
	s2 =	simm.s32 @!p1 $0x100  }
0x18b: {  	[tilespmem:s18], [sflag:$0x4] =	stream.strided.gather @!p1 [hbm4b:s4+s2], $0x2000, s7, s2, $0x38;
	[tilespmem:$0x11000] =	vst v63  }
0x18c: {  	s18 =	sadd.s32 s6, s16  }
0x18d: {  	[hbm4b:s18+s19] =	stream.strided.scatter [tilespmem:s1], [sflag:$0x8], $0x2000, s20, s19, $0x38;
	[tilespmem:$0x11000] =	vst v63  }
0x18e: {  	s2 =	simm.s32 $0x5  }
0x18f: {  	_ =	swait.ge [sflag:s2], $0x2000  }
0x190: {  	[sflag:s2] =	ssyncset.done $0x0  }
0x191: {  	s7 =	simm.s32 $0x6;
	[sflag:s2] =	ssyncadd.s32 $0xFFFFE000  }
0x192: {  	_ =	swait.ge [sflag:s7], $0x2000  }
0x193: {  	[sflag:s7] =	ssyncset.done $0x0  }
0x194: {  	s17 =	simm.s32 $0x7;
	[sflag:s7] =	ssyncadd.s32 $0xFFFFE000  }
0x195: {  	_ =	swait.ge [sflag:s17], $0x2000  }
0x196: {  	[sflag:s17] =	ssyncset.done $0x0  }
0x197: {  	[sflag:s17] =	ssyncadd.s32 $0xFFFFE000  }
0x198: {  	_ =	swait.ge [sflag:s8], $0x2000  }
0x199: {  	s9 =	sadd.s32 $0x1, s9;
	s18 =	rddreg [dreg:$0x8]  }
0x19a: {  	p0 =	sne.s32 s9, s18  }
.Ltmp5:
0x19b: {  	_ = 	snop;
	(pc) =	sbr.rel @p0 .LBB2_1-.Ltmp5, $3  }
0x19c: {  	_ =	sdelay $0x1  }
0x19d: {  	[sflag:s8] =	ssyncset.done $0x0  }
0x19e: {  	[sflag:s8] =	ssyncadd.s32 $0xFFFFE000  }
0x19f: {  	_ =	sfence.sel $0x180000  }
0x1a0: {  	[bflag:$0x0] =	sbarrier.arrive $0xFFFF  }
0x1a1: {  	_ =	strace $0x90000047  }
0x1a2: {  	s0 =	stileid.u32;
	[bflag:$0x2] =	sbarrier.arrive $0xFFFF  }
0x1a3: {  	p0 =	sne.s32 s0, $0x0;
	s0 =	rddreg [dreg:$0x3]  }
0x1a4: {  	s0 =	sadd.s32 @!p0 $0x100000, s0  }
0x1a5: {  	[sflag:s0] =	ssyncadd.tile.s32 @!p0 $0x1;
	_ =	shalt  }
.Lfunc_end2:
_tile_overlayer_lowered:
.L_overlay_start_2:
0x1a6: {  	(tag) =	ssettag $0x2  }
0x1a7: {  	s0 =	rddreg [dreg:$0x0];
	s2 =	stileid.u32  }
0x1a8: {  	s1 =	rddreg [dreg:$0x1];
	p0 =	sne.s32 s2, $0x0  }
0x1a9: {  	s3 =	rddreg [dreg:$0x2];
	[bflag:$0x3] =	sbarrier.arrive $0xFFFF;
	s2 =	simm.s32 @!p0 $0x1C09  }
0x1aa: {  	[timem:s3], [sflag:s2] =	dma.local @!p0 [hbm:s0], s1  }
0x1ab: {  	s0 =	simm.s32 @!p0 $0x9  }
0x1ac: {  	_ =	swait.ge @!p0 [sflag:s0], s1  }
0x1ad: {  	s1 =	ssub.s32 @!p0 $0x0, s1;
	[sflag:s0] =	ssyncset.done @!p0 $0x0  }
0x1ae: {  	[sflag:s0] =	ssyncadd.s32 @!p0 s1  }
0x1af: {  	[bflag:$0x3] =	sbarrier.arrive $0xFFFF  }
0x1b0: {  	_ =	shalt  }

</sc_bundles>
